<compile_context>
chip_gen: v7x
topology: tpu7x:2x2x1
jax: 0.10.2.dev20260603
libtpu: 0.0.44.dev20260713+nightly
codegen_flags: <defaults>
</compile_context>

<pallas_src>
import functools

import numpy as np

import jax
import jax.numpy as jnp
from jax import lax
from jax.experimental import pallas as pl
from jax.experimental.pallas import tpu as pltpu
from jax.experimental.pallas import tpu_sc as plsc

P = 7
RSCALE = 1.2
BSCALE = 1.4
NUM_SC = 2
NUM_SUBCORES = 16
NUM_WORKERS = NUM_SC * NUM_SUBCORES


def _split_dot(m16, x, dn):
    hi = x.astype(jnp.bfloat16)
    lo = (x - hi.astype(jnp.float32)).astype(jnp.bfloat16)
    return (lax.dot_general(m16, hi, dn, preferred_element_type=jnp.float32)
            + lax.dot_general(m16, lo, dn, preferred_element_type=jnp.float32))


def _fused_tc_body(x_ref, u_ref, bd_ref, rois_ref, sscale_ref,
                   tab_ref, idx_ref, sc_ref, h_size, w_size, n_batch):
    dnl = (((1,), (0,)), ((), ()))
    for t in range(n_batch):
        a = _split_dot(bd_ref[...], x_ref[0, t], dnl)
        hi = a.astype(jnp.bfloat16)
        lo = (a - hi.astype(jnp.float32)).astype(jnp.bfloat16)
        tab_ref[t] = (
            lax.dot_general(hi, u_ref[...], dnl,
                            preferred_element_type=jnp.float32)
            + lax.dot_general(lo, u_ref[...], dnl,
                              preferred_element_type=jnp.float32))

    @pl.when(pl.program_id(0) == 0)
    def _():
        _bins_body(rois_ref, sscale_ref, idx_ref, sc_ref, h_size, w_size)


def _bins_body(rois_ref, sscale_ref, idx_ref, sc_ref, h_size, w_size):
    r = rois_ref[...]
    s = sscale_ref[0, 0]
    bidx = r[:, 0:1].astype(jnp.int32)
    x1 = r[:, 1:2] * s
    y1 = r[:, 2:3] * s
    x2 = r[:, 3:4] * s
    y2 = r[:, 4:5] * s
    roi_w = jnp.maximum(x2 - x1, 0.1)
    roi_h = jnp.maximum(y2 - y1, 0.1)
    cx = 0.5 * (x1 + x2)
    cy = 0.5 * (y1 + y2)
    w_s = roi_w * RSCALE
    h_s = roi_h * RSCALE
    x1s = cx - 0.5 * w_s
    y1s = cy - 0.5 * h_s
    bin_w = w_s / P
    bin_h = h_s / P

    col = lax.broadcasted_iota(jnp.int32, (1, 256), 1)
    pc = jnp.minimum(col // 4, P * P - 1)
    corner = col % 4
    ph = (pc // P).astype(jnp.float32)
    pw = (pc % P).astype(jnp.float32)
    cyb = y1s + (ph + 0.5) * bin_h
    cxb = x1s + (pw + 0.5) * bin_w
    half_h = 0.5 * BSCALE * bin_h
    half_w = 0.5 * BSCALE * bin_w
    hs = jnp.clip(jnp.floor(cyb - half_h), 0.0, float(h_size))
    he = jnp.clip(jnp.ceil(cyb + half_h), 0.0, float(h_size))
    ws = jnp.clip(jnp.floor(cxb - half_w), 0.0, float(w_size))
    we = jnp.clip(jnp.ceil(cxb + half_w), 0.0, float(w_size))
    ii = jnp.where(corner % 2 == 0, he, hs).astype(jnp.int32)
    jj = jnp.where(corner < 2, we, ws).astype(jnp.int32)
    wj = w_size + 1
    slab = (h_size + 1) * wj
    base = (bidx * (P * P) + pc) * slab
    idx_ref[...] = jnp.where(col < P * P * 4, base + ii * wj + jj, 0)

    col2 = lax.broadcasted_iota(jnp.int32, (1, 56 * 16), 1)
    pc2 = jnp.minimum(col2 // 16, P * P - 1)
    ph2 = (pc2 // P).astype(jnp.float32)
    pw2 = (pc2 % P).astype(jnp.float32)
    cyb2 = y1s + (ph2 + 0.5) * bin_h
    cxb2 = x1s + (pw2 + 0.5) * bin_w
    hh2 = 0.5 * BSCALE * bin_h
    hw2 = 0.5 * BSCALE * bin_w
    hs2 = jnp.clip(jnp.floor(cyb2 - hh2), 0.0, float(h_size))
    he2 = jnp.clip(jnp.ceil(cyb2 + hh2), 0.0, float(h_size))
    ws2 = jnp.clip(jnp.floor(cxb2 - hw2), 0.0, float(w_size))
    we2 = jnp.clip(jnp.ceil(cxb2 + hw2), 0.0, float(w_size))
    cnt = (he2 - hs2) * (we2 - ws2)
    sc_ref[...] = jnp.where(cnt > 0.0, 1.0 / jnp.maximum(cnt, 1.0), 0.0)


def _make_sc_gather(n_bins, n_rows):
    bins_per_worker = n_bins // NUM_WORKERS
    rois_per_worker = bins_per_worker // (P * P)
    n_chunks = rois_per_worker * 2
    mesh = plsc.VectorSubcoreMesh(core_axis_name="c", subcore_axis_name="s")

    @functools.partial(
        pl.kernel, mesh=mesh,
        out_type=jax.ShapeDtypeStruct((n_bins, 16), jnp.float32),
        scratch_types=[
            pltpu.VMEM((n_chunks, 128), jnp.int32),
            pltpu.VMEM((128, 16), jnp.float32),
            pltpu.VMEM((128, 16), jnp.float32),
            pltpu.VMEM((128, 16), jnp.float32),
            pltpu.VMEM((128, 16), jnp.float32),
            pltpu.VMEM((rois_per_worker * 56, 16), jnp.float32),
            pltpu.VMEM((bins_per_worker, 16), jnp.float32),
            pltpu.SemaphoreType.DMA,
            pltpu.SemaphoreType.DMA,
            pltpu.SemaphoreType.DMA,
            pltpu.SemaphoreType.DMA,
        ],
        compiler_params=pltpu.CompilerParams(use_tc_tiling_on_sc=False),
    )
    def sc_gather(idx_hbm, scale_hbm, table_hbm, out_hbm,
                  idx_v, rows_a, rows_b, rows_c, rows_d, scale_v, out_v,
                  sem_a, sem_b, sem_c, sem_d):
        wid = lax.axis_index("s") * NUM_SC + lax.axis_index("c")
        pltpu.sync_copy(idx_hbm.at[pl.ds(wid * n_chunks, n_chunks)], idx_v)
        pltpu.sync_copy(
            scale_hbm.at[pl.ds(wid * rois_per_worker * 56,
                               rois_per_worker * 56)], scale_v)

        bufs = (rows_a, rows_b, rows_c, rows_d)
        sems = (sem_a, sem_b, sem_c, sem_d)
        n_quads = rois_per_worker // 2

        for q in range(4):
            pltpu.async_copy(table_hbm.at[idx_v.at[q]], bufs[q], sems[q])

        def quad_body(m, carry):
            for q in range(4):
                buf, sem = bufs[q], sems[q]
                pltpu.make_async_copy(table_hbm.at[pl.ds(0, 128)], buf,
                                      sem).wait()
                r_local = 2 * m + q // 2

                def bin_body(i, _, q=q, buf=buf, r_local=r_local):
                    acc = (buf[4 * i, :] - buf[4 * i + 1, :]
                           - buf[4 * i + 2, :] + buf[4 * i + 3, :])
                    out_v[r_local * (P * P) + (q % 2) * 32 + i, :] = (
                        acc * scale_v[r_local * 56 + (q % 2) * 32 + i, :])
                    return 0

                lax.fori_loop(0, 32 if q % 2 == 0 else P * P - 32,
                              bin_body, 0)

                @pl.when(m + 1 < n_quads)
                def _(q=q, buf=buf, sem=sem):
                    pltpu.async_copy(
                        table_hbm.at[idx_v.at[4 * (m + 1) + q]], buf, sem)
            return carry

        lax.fori_loop(0, n_quads, quad_body, 0)
        pltpu.sync_copy(
            out_v, out_hbm.at[pl.ds(wid * bins_per_worker, bins_per_worker)])

    return sc_gather


def kernel(rois, features, stride):
    B, C, H, W = features.shape
    D = C // (P * P)
    N = rois.shape[0]
    n_bins = N * P * P
    n_rows = B * P * P * (H + 1) * (W + 1)

    x_t = (features.reshape(B, D, P * P, H, W)
           .transpose(0, 2, 1, 3, 4)
           .reshape(B, P * P, D * H, W))

    u_mat = (np.arange(W)[:, None] < np.arange(W + 1)[None, :]).astype(np.float32)
    rr = np.arange(D * (H + 1))
    cc = np.arange(D * H)
    bd_mat = ((rr[:, None] // (H + 1) == cc[None, :] // H)
              & (cc[None, :] % H < rr[:, None] % (H + 1))).astype(np.float32)

    sscale = (1.0 / stride) * jnp.ones((1, 1), jnp.float32)
    nb = P
    body = functools.partial(_fused_tc_body, h_size=H, w_size=W, n_batch=nb)
    table_dmaj, idx4, scale16 = pl.pallas_call(
        body,
        grid=(B * P * P // nb,),
        in_specs=[
            pl.BlockSpec((1, nb, D * H, W),
                         lambda g, nb=nb, pp=P * P // nb: (g // pp, g % pp,
                                                           0, 0)),
            pl.BlockSpec((W, W + 1), lambda g: (0, 0)),
            pl.BlockSpec((D * (H + 1), D * H), lambda g: (0, 0)),
            pl.BlockSpec((N, 5), lambda g: (0, 0)),
            pl.BlockSpec((1, 1), lambda g: (0, 0)),
        ],
        out_specs=[
            pl.BlockSpec((nb, D * (H + 1), W + 1), lambda g: (g, 0, 0)),
            pl.BlockSpec((N, 256), lambda g: (0, 0)),
            pl.BlockSpec((N, 56 * 16), lambda g: (0, 0)),
        ],
        out_shape=[
            jax.ShapeDtypeStruct((B * P * P, D * (H + 1), W + 1), jnp.float32),
            jax.ShapeDtypeStruct((N, 256), jnp.int32),
            jax.ShapeDtypeStruct((N, 56 * 16), jnp.float32),
        ],
    )(x_t, jnp.asarray(u_mat, jnp.bfloat16), jnp.asarray(bd_mat, jnp.bfloat16),
      rois.astype(jnp.float32), sscale)

    table = table_dmaj.reshape(B * P * P, D, H + 1, W + 1).transpose(0, 2, 3, 1)
    table = jnp.pad(table, ((0, 0), (0, 0), (0, 0), (0, 16 - D)))
    table = table.reshape(n_rows, 16)

    idx_flat = idx4.reshape(N * 2, 128)
    scale16 = scale16.reshape(N * 56, 16)

    out_rows = _make_sc_gather(n_bins, n_rows)(idx_flat, scale16, table)

    return (out_rows[:, :D].reshape(N, P * P, D)
            .transpose(0, 2, 1).reshape(N, D, P, P))

# --- scband reference (transcript-rebuilt; emitter-appended) ---
"""Pipeline reference for scband-psro-imask-pool-76871324664412 (READ-ONLY COPY).

The authoritative reference and input builder live on the scoring server;
editing this copy changes nothing except your own understanding.
"""

import jax, jax.numpy as jnp
import numpy as np

GROUP_SIZE = 7
ROI_SCALE = 1.2
BIN_SCALE = 1.4


def setup_inputs(seed: int = 0):
    key = jax.random.key(seed)
    k1, k2 = jax.random.split(key)
    features = jax.random.normal(k1, (2, 490, 50, 50), dtype=jnp.float32)
    # rois built from uniform fill, then mapped to valid (batch_idx, x1, y1, x2, y2)
    u = jax.random.uniform(k2, (512, 5), dtype=jnp.float32)
    batch_idx = jnp.floor(u[:, 0] * 2.0)
    x1 = u[:, 1] * 680.0
    y1 = u[:, 2] * 680.0
    x2 = jnp.minimum(x1 + 16.0 + u[:, 3] * 120.0, 799.0)
    y2 = jnp.minimum(y1 + 16.0 + u[:, 4] * 120.0, 799.0)
    rois = jnp.stack([batch_idx, x1, y1, x2, y2], axis=1)
    return {"rois": rois, "features": features, "stride": 16}


def _psroi_mask_pool(features, rois, stride):
    B, C, H, W = features.shape
    N = rois.shape[0]
    P = GROUP_SIZE
    spatial_scale = 1.0 / stride
    output_dim = C // (P * P)
    bidx = rois[:, 0].astype(jnp.int32)
    x1 = rois[:, 1] * spatial_scale
    y1 = rois[:, 2] * spatial_scale
    x2 = rois[:, 3] * spatial_scale
    y2 = rois[:, 4] * spatial_scale
    roi_w = jnp.maximum(x2 - x1, 0.1)
    roi_h = jnp.maximum(y2 - y1, 0.1)
    cx = 0.5 * (x1 + x2)
    cy = 0.5 * (y1 + y2)
    roi_w_s = roi_w * ROI_SCALE
    roi_h_s = roi_h * ROI_SCALE
    x1s = cx - 0.5 * roi_w_s
    y1s = cy - 0.5 * roi_h_s
    bin_w = roi_w_s / P
    bin_h = roi_h_s / P
    pp = jnp.arange(P, dtype=jnp.float32)
    cy_bin = y1s[:, None] + (pp[None, :] + 0.5) * bin_h[:, None]
    cx_bin = x1s[:, None] + (pp[None, :] + 0.5) * bin_w[:, None]
    half_h = 0.5 * BIN_SCALE * bin_h[:, None]
    half_w = 0.5 * BIN_SCALE * bin_w[:, None]
    hstart = jnp.clip(jnp.floor(cy_bin - half_h), 0.0, float(H))
    hend = jnp.clip(jnp.ceil(cy_bin + half_h), 0.0, float(H))
    wstart = jnp.clip(jnp.floor(cx_bin - half_w), 0.0, float(W))
    wend = jnp.clip(jnp.ceil(cx_bin + half_w), 0.0, float(W))
    hh = jnp.arange(H, dtype=jnp.float32)
    ww = jnp.arange(W, dtype=jnp.float32)
    mask_h = ((hh[None, None, :] >= hstart[:, :, None]) & (hh[None, None, :] < hend[:, :, None])).astype(features.dtype)
    mask_w = ((ww[None, None, :] >= wstart[:, :, None]) & (ww[None, None, :] < wend[:, :, None])).astype(features.dtype)
    # position-sensitive channel mapping: c = (d * P + ph) * P + pw
    featr = features.reshape(B, output_dim, P, P, H, W)
    t = jnp.einsum('nph,bdpqhw->nbdpqw', mask_h, featr)
    s = jnp.einsum('nqw,nbdpqw->nbdpq', mask_w, t)
    out = jnp.take_along_axis(s, bidx[:, None, None, None, None].astype(jnp.int32), axis=1)[:, 0]
    cnt = mask_h.sum(-1)[:, :, None] * mask_w.sum(-1)[:, None, :]
    out = jnp.where(cnt[:, None, :, :] > 0, out / jnp.maximum(cnt[:, None, :, :], 1.0), 0.0)
    return out


def reference(rois, features, stride):
    rois = rois[:, :5].astype(features.dtype)
    return _psroi_mask_pool(features, rois, stride)

if __name__ == "__main__":
    import jax
    _d = setup_inputs()
    print(jax.jit(kernel)(*tuple(_d.values())))

</pallas_src>

<mosaic_0001>
#map = affine_map<(d0, d1) -> (0, 0)>
module attributes {stable_mosaic.version = 14 : i64} {
  func.func @sc_gather(%arg0: i32, %arg1: i32, %arg2: memref<1024x128xi32, #tpu.memory_space<hbm>>, %arg3: memref<28672x16xf32, #tpu.memory_space<hbm>>, %arg4: memref<254898x16xf32, #tpu.memory_space<hbm>>, %arg5: memref<25088x16xf32, #tpu.memory_space<hbm>>, %arg6: memref<32x128xi32, #tpu.memory_space<vmem>>, %arg7: memref<128x16xf32, #tpu.memory_space<vmem>>, %arg8: memref<128x16xf32, #tpu.memory_space<vmem>>, %arg9: memref<128x16xf32, #tpu.memory_space<vmem>>, %arg10: memref<128x16xf32, #tpu.memory_space<vmem>>, %arg11: memref<896x16xf32, #tpu.memory_space<vmem>>, %arg12: memref<784x16xf32, #tpu.memory_space<vmem>>, %arg13: memref<!tpu.dma_semaphore, #tpu.memory_space<semaphore_mem>>, %arg14: memref<!tpu.dma_semaphore, #tpu.memory_space<semaphore_mem>>, %arg15: memref<!tpu.dma_semaphore, #tpu.memory_space<semaphore_mem>>, %arg16: memref<!tpu.dma_semaphore, #tpu.memory_space<semaphore_mem>>) attributes {dimension_semantics = [#tpu.dimension_semantics<core_parallel>, #tpu.dimension_semantics<subcore_parallel>], iteration_bounds = array<i64: 2, 16>, scalar_prefetch = 0 : i64, scratch_operands = 11 : i64, tpu.core_type = #tpu.core_type<sc_vector_subcore>, window_params = [{transform_indices = #map}, {transform_indices = #map}, {transform_indices = #map}, {transform_indices = #map}]} {
    %mul3A = arith.constant 2 : i32
    %mul3A_0 = arith.muli %arg1, %mul3A : i32
    %add3A = arith.addi %mul3A_0, %arg0 : i32
    %mul3A_1 = arith.constant 32 : i32
    %mul3A_2 = arith.muli %add3A, %mul3A_1 : i32
    "tpu.region"() ({
      %run_scoped3A = tpu.sem_alloc : memref<!tpu.dma_semaphore, #tpu.memory_space<semaphore_mem>>
      %dma_start3A_41 = arith.constant 0 : i32
      %dma_start3A_42 = tpu.memref_slice %arg2[%mul3A_2, %dma_start3A_41] : memref<1024x128xi32, #tpu.memory_space<hbm>> -> memref<32x128xi32, #tpu.memory_space<hbm>>
      %dma_start3A_43 = arith.constant 0 : i32
      %dma_start3A_44 = tpu.memref_slice %arg2[%mul3A_2, %dma_start3A_43] : memref<1024x128xi32, #tpu.memory_space<hbm>> -> memref<32x128xi32, #tpu.memory_space<hbm>>
      tpu.enqueue_dma source(%dma_start3A_44 : memref<32x128xi32, #tpu.memory_space<hbm>>) target(%arg6 : memref<32x128xi32, #tpu.memory_space<vmem>>) target_semaphore(%run_scoped3A : memref<!tpu.dma_semaphore, #tpu.memory_space<semaphore_mem>>)
      %dma_wait3A = arith.constant 0 : i32
      %dma_wait3A_45 = tpu.memref_slice %arg2[%mul3A_2, %dma_wait3A] : memref<1024x128xi32, #tpu.memory_space<hbm>> -> memref<32x128xi32, #tpu.memory_space<hbm>>
      %dma_wait3A_46 = arith.constant 0 : i32
      %dma_wait3A_47 = tpu.memref_slice %arg2[%mul3A_2, %dma_wait3A_46] : memref<1024x128xi32, #tpu.memory_space<hbm>> -> memref<32x128xi32, #tpu.memory_space<hbm>>
      tpu.wait_dma2 semaphore(%run_scoped3A : memref<!tpu.dma_semaphore, #tpu.memory_space<semaphore_mem>>) src(%dma_wait3A_47 : memref<32x128xi32, #tpu.memory_space<hbm>>) dst(%arg6 : memref<32x128xi32, #tpu.memory_space<vmem>>)
      tpu.yield
    }) : () -> ()
    %mul3A_3 = arith.constant 16 : i32
    %mul3A_4 = arith.muli %add3A, %mul3A_3 : i32
    %mul3A_5 = arith.constant 56 : i32
    %mul3A_6 = arith.muli %mul3A_4, %mul3A_5 : i32
    "tpu.region"() ({
      %run_scoped3A = tpu.sem_alloc : memref<!tpu.dma_semaphore, #tpu.memory_space<semaphore_mem>>
      %dma_start3A_41 = arith.constant 0 : i32
      %dma_start3A_42 = tpu.memref_slice %arg3[%mul3A_6, %dma_start3A_41] : memref<28672x16xf32, #tpu.memory_space<hbm>> -> memref<896x16xf32, #tpu.memory_space<hbm>>
      %dma_start3A_43 = arith.constant 0 : i32
      %dma_start3A_44 = tpu.memref_slice %arg3[%mul3A_6, %dma_start3A_43] : memref<28672x16xf32, #tpu.memory_space<hbm>> -> memref<896x16xf32, #tpu.memory_space<hbm>>
      tpu.enqueue_dma source(%dma_start3A_44 : memref<896x16xf32, #tpu.memory_space<hbm>>) target(%arg11 : memref<896x16xf32, #tpu.memory_space<vmem>>) target_semaphore(%run_scoped3A : memref<!tpu.dma_semaphore, #tpu.memory_space<semaphore_mem>>)
      %dma_wait3A = arith.constant 0 : i32
      %dma_wait3A_45 = tpu.memref_slice %arg3[%mul3A_6, %dma_wait3A] : memref<28672x16xf32, #tpu.memory_space<hbm>> -> memref<896x16xf32, #tpu.memory_space<hbm>>
      %dma_wait3A_46 = arith.constant 0 : i32
      %dma_wait3A_47 = tpu.memref_slice %arg3[%mul3A_6, %dma_wait3A_46] : memref<28672x16xf32, #tpu.memory_space<hbm>> -> memref<896x16xf32, #tpu.memory_space<hbm>>
      tpu.wait_dma2 semaphore(%run_scoped3A : memref<!tpu.dma_semaphore, #tpu.memory_space<semaphore_mem>>) src(%dma_wait3A_47 : memref<896x16xf32, #tpu.memory_space<hbm>>) dst(%arg11 : memref<896x16xf32, #tpu.memory_space<vmem>>)
      tpu.yield
    }) : () -> ()
    %dma_start3A = arith.constant 0 : i32
    %dma_start3A_7 = arith.constant 0 : i32
    %dma_start3A_8 = tpu.memref_slice %arg6[%dma_start3A, %dma_start3A_7] : memref<32x128xi32, #tpu.memory_space<vmem>> -> memref<1x128xi32, #tpu.memory_space<vmem>>
    %dma_start3A_9 = tpu.memref_squeeze %dma_start3A_8 : memref<1x128xi32, #tpu.memory_space<vmem>> -> memref<128xi32, #tpu.memory_space<vmem>>
    %dma_start3A_10 = arith.constant 0 : i32
    %dma_start3A_11 = arith.constant 0 : i32
    %dma_start3A_12 = tpu.memref_slice %arg4[%dma_start3A_10, %dma_start3A_11] : memref<254898x16xf32, #tpu.memory_space<hbm>> -> memref<254898x16xf32, #tpu.memory_space<hbm>>
    tpu.enqueue_indirect_dma source(%dma_start3A_12 : memref<254898x16xf32, #tpu.memory_space<hbm>>) target(%arg7 : memref<128x16xf32, #tpu.memory_space<vmem>>) offsets(%dma_start3A_9 : memref<128xi32, #tpu.memory_space<vmem>>) semaphore(%arg13 : memref<!tpu.dma_semaphore, #tpu.memory_space<semaphore_mem>>)
    %dma_start3A_13 = arith.constant 1 : i32
    %dma_start3A_14 = arith.constant 0 : i32
    %dma_start3A_15 = tpu.memref_slice %arg6[%dma_start3A_13, %dma_start3A_14] : memref<32x128xi32, #tpu.memory_space<vmem>> -> memref<1x128xi32, #tpu.memory_space<vmem>>
    %dma_start3A_16 = tpu.memref_squeeze %dma_start3A_15 : memref<1x128xi32, #tpu.memory_space<vmem>> -> memref<128xi32, #tpu.memory_space<vmem>>
    %dma_start3A_17 = arith.constant 0 : i32
    %dma_start3A_18 = arith.constant 0 : i32
    %dma_start3A_19 = tpu.memref_slice %arg4[%dma_start3A_17, %dma_start3A_18] : memref<254898x16xf32, #tpu.memory_space<hbm>> -> memref<254898x16xf32, #tpu.memory_space<hbm>>
    tpu.enqueue_indirect_dma source(%dma_start3A_19 : memref<254898x16xf32, #tpu.memory_space<hbm>>) target(%arg8 : memref<128x16xf32, #tpu.memory_space<vmem>>) offsets(%dma_start3A_16 : memref<128xi32, #tpu.memory_space<vmem>>) semaphore(%arg14 : memref<!tpu.dma_semaphore, #tpu.memory_space<semaphore_mem>>)
    %dma_start3A_20 = arith.constant 2 : i32
    %dma_start3A_21 = arith.constant 0 : i32
    %dma_start3A_22 = tpu.memref_slice %arg6[%dma_start3A_20, %dma_start3A_21] : memref<32x128xi32, #tpu.memory_space<vmem>> -> memref<1x128xi32, #tpu.memory_space<vmem>>
    %dma_start3A_23 = tpu.memref_squeeze %dma_start3A_22 : memref<1x128xi32, #tpu.memory_space<vmem>> -> memref<128xi32, #tpu.memory_space<vmem>>
    %dma_start3A_24 = arith.constant 0 : i32
    %dma_start3A_25 = arith.constant 0 : i32
    %dma_start3A_26 = tpu.memref_slice %arg4[%dma_start3A_24, %dma_start3A_25] : memref<254898x16xf32, #tpu.memory_space<hbm>> -> memref<254898x16xf32, #tpu.memory_space<hbm>>
    tpu.enqueue_indirect_dma source(%dma_start3A_26 : memref<254898x16xf32, #tpu.memory_space<hbm>>) target(%arg9 : memref<128x16xf32, #tpu.memory_space<vmem>>) offsets(%dma_start3A_23 : memref<128xi32, #tpu.memory_space<vmem>>) semaphore(%arg15 : memref<!tpu.dma_semaphore, #tpu.memory_space<semaphore_mem>>)
    %dma_start3A_27 = arith.constant 3 : i32
    %dma_start3A_28 = arith.constant 0 : i32
    %dma_start3A_29 = tpu.memref_slice %arg6[%dma_start3A_27, %dma_start3A_28] : memref<32x128xi32, #tpu.memory_space<vmem>> -> memref<1x128xi32, #tpu.memory_space<vmem>>
    %dma_start3A_30 = tpu.memref_squeeze %dma_start3A_29 : memref<1x128xi32, #tpu.memory_space<vmem>> -> memref<128xi32, #tpu.memory_space<vmem>>
    %dma_start3A_31 = arith.constant 0 : i32
    %dma_start3A_32 = arith.constant 0 : i32
    %dma_start3A_33 = tpu.memref_slice %arg4[%dma_start3A_31, %dma_start3A_32] : memref<254898x16xf32, #tpu.memory_space<hbm>> -> memref<254898x16xf32, #tpu.memory_space<hbm>>
    tpu.enqueue_indirect_dma source(%dma_start3A_33 : memref<254898x16xf32, #tpu.memory_space<hbm>>) target(%arg10 : memref<128x16xf32, #tpu.memory_space<vmem>>) offsets(%dma_start3A_30 : memref<128xi32, #tpu.memory_space<vmem>>) semaphore(%arg16 : memref<!tpu.dma_semaphore, #tpu.memory_space<semaphore_mem>>)
    %scan3A = arith.constant 0 : i32
    %scan3A_34 = arith.constant 0 : i32
    %scan3A_35 = arith.constant 8 : i32
    %scan3A_36 = arith.addi %scan3A_34, %scan3A_35 : i32
    %scan3A_37 = arith.constant 1 : i32
    scf.for %scan3A_41 = %scan3A_34 to %scan3A_36 step %scan3A_37  : i32 {
      %dma_wait3A = arith.constant 0 : i32
      %dma_wait3A_42 = arith.constant 0 : i32
      %dma_wait3A_43 = tpu.memref_slice %arg4[%dma_wait3A, %dma_wait3A_42] : memref<254898x16xf32, #tpu.memory_space<hbm>> -> memref<128x16xf32, #tpu.memory_space<hbm>>
      %dma_wait3A_44 = arith.constant 0 : i32
      %dma_wait3A_45 = arith.constant 0 : i32
      %dma_wait3A_46 = tpu.memref_slice %arg4[%dma_wait3A_44, %dma_wait3A_45] : memref<254898x16xf32, #tpu.memory_space<hbm>> -> memref<128x16xf32, #tpu.memory_space<hbm>>
      tpu.wait_dma2 semaphore(%arg13 : memref<!tpu.dma_semaphore, #tpu.memory_space<semaphore_mem>>) src(%dma_wait3A_46 : memref<128x16xf32, #tpu.memory_space<hbm>>) dst(%arg7 : memref<128x16xf32, #tpu.memory_space<vmem>>)
      %mul3A_47 = arith.constant 2 : i32
      %mul3A_48 = arith.muli %mul3A_47, %scan3A_41 : i32
      %add3A_49 = arith.constant 0 : i32
      %add3A_50 = arith.addi %mul3A_48, %add3A_49 : i32
      %scan3A_51 = arith.constant 0 : i32
      %scan3A_52 = arith.constant 0 : i32
      %scan3A_53 = arith.constant 32 : i32
      %scan3A_54 = arith.addi %scan3A_52, %scan3A_53 : i32
      %scan3A_55 = arith.constant 1 : i32
      %scan3A_56 = scf.for %scan3A_134 = %scan3A_52 to %scan3A_54 step %scan3A_55 iter_args(%scan3A_135 = %scan3A_51) -> (i32)  : i32 {
        %mul3A_136 = arith.constant 4 : i32
        %mul3A_137 = arith.muli %mul3A_136, %scan3A_134 : i32
        %get3A = arith.index_cast %mul3A_137 : i32 to index
        %get3A_138 = arith.constant 0 : index
        %get3A_139 = tpu.vector_load %arg7[%get3A, %get3A_138] {strides = array<i32>} : memref<128x16xf32, #tpu.memory_space<vmem>>, vector<1x16xf32>,
        %get3A_140 = vector.shape_cast %get3A_139 : vector<1x16xf32> to vector<16xf32>
        %mul3A_141 = arith.constant 4 : i32
        %mul3A_142 = arith.muli %mul3A_141, %scan3A_134 : i32
        %add3A_143 = arith.constant 1 : i32
        %add3A_144 = arith.addi %mul3A_142, %add3A_143 : i32
        %get3A_145 = arith.index_cast %add3A_144 : i32 to index
        %get3A_146 = arith.constant 0 : index
        %get3A_147 = tpu.vector_load %arg7[%get3A_145, %get3A_146] {strides = array<i32>} : memref<128x16xf32, #tpu.memory_space<vmem>>, vector<1x16xf32>,
        %get3A_148 = vector.shape_cast %get3A_147 : vector<1x16xf32> to vector<16xf32>
        %sub3A = arith.subf %get3A_140, %get3A_148 : vector<16xf32>
        %mul3A_149 = arith.constant 4 : i32
        %mul3A_150 = arith.muli %mul3A_149, %scan3A_134 : i32
        %add3A_151 = arith.constant 2 : i32
        %add3A_152 = arith.addi %mul3A_150, %add3A_151 : i32
        %get3A_153 = arith.index_cast %add3A_152 : i32 to index
        %get3A_154 = arith.constant 0 : index
        %get3A_155 = tpu.vector_load %arg7[%get3A_153, %get3A_154] {strides = array<i32>} : memref<128x16xf32, #tpu.memory_space<vmem>>, vector<1x16xf32>,
        %get3A_156 = vector.shape_cast %get3A_155 : vector<1x16xf32> to vector<16xf32>
        %sub3A_157 = arith.subf %sub3A, %get3A_156 : vector<16xf32>
        %mul3A_158 = arith.constant 4 : i32
        %mul3A_159 = arith.muli %mul3A_158, %scan3A_134 : i32
        %add3A_160 = arith.constant 3 : i32
        %add3A_161 = arith.addi %mul3A_159, %add3A_160 : i32
        %get3A_162 = arith.index_cast %add3A_161 : i32 to index
        %get3A_163 = arith.constant 0 : index
        %get3A_164 = tpu.vector_load %arg7[%get3A_162, %get3A_163] {strides = array<i32>} : memref<128x16xf32, #tpu.memory_space<vmem>>, vector<1x16xf32>,
        %get3A_165 = vector.shape_cast %get3A_164 : vector<1x16xf32> to vector<16xf32>
        %add3A_166 = arith.addf %sub3A_157, %get3A_165 : vector<16xf32>
        %mul3A_167 = arith.constant 56 : i32
        %mul3A_168 = arith.muli %add3A_50, %mul3A_167 : i32
        %add3A_169 = arith.constant 0 : i32
        %add3A_170 = arith.addi %mul3A_168, %add3A_169 : i32
        %add3A_171 = arith.addi %add3A_170, %scan3A_134 : i32
        %get3A_172 = arith.index_cast %add3A_171 : i32 to index
        %get3A_173 = arith.constant 0 : index
        %get3A_174 = tpu.vector_load %arg11[%get3A_172, %get3A_173] {strides = array<i32>} : memref<896x16xf32, #tpu.memory_space<vmem>>, vector<1x16xf32>,
        %get3A_175 = vector.shape_cast %get3A_174 : vector<1x16xf32> to vector<16xf32>
        %mul3A_176 = arith.mulf %add3A_166, %get3A_175 : vector<16xf32>
        %mul3A_177 = arith.constant 49 : i32
        %mul3A_178 = arith.muli %add3A_50, %mul3A_177 : i32
        %add3A_179 = arith.constant 0 : i32
        %add3A_180 = arith.addi %mul3A_178, %add3A_179 : i32
        %add3A_181 = arith.addi %add3A_180, %scan3A_134 : i32
        %swap3A = arith.index_cast %add3A_181 : i32 to index
        %swap3A_182 = arith.constant 0 : index
        %swap3A_183 = tpu.vector_load %arg12[%swap3A, %swap3A_182] {strides = array<i32>} : memref<784x16xf32, #tpu.memory_space<vmem>>, vector<1x16xf32>,
        %swap3A_184 = vector.shape_cast %swap3A_183 : vector<1x16xf32> to vector<16xf32>
        %swap3A_185 = vector.shape_cast %mul3A_176 : vector<16xf32> to vector<1x16xf32>
        tpu.vector_store %arg12[%swap3A, %swap3A_182], %swap3A_185 {strides = array<i32>} : memref<784x16xf32, #tpu.memory_space<vmem>>, vector<1x16xf32>,
        %scan3A_186 = arith.constant 0 : i32
        scf.yield %scan3A_186 : i32
      }
      %scan3A_57 = arith.constant 32 : i32
      %add3A_58 = arith.constant 1 : i32
      %add3A_59 = arith.addi %scan3A_41, %add3A_58 : i32
      %lt3A = arith.constant 8 : i32
      %lt3A_60 = arith.cmpi slt, %add3A_59, %lt3A : i32
      %convert_element_type3A = arith.extui %lt3A_60 : i1 to i32
      %cond3A = arith.constant 0 : i32
      %cond3A_61 = arith.cmpi ne, %convert_element_type3A, %cond3A : i32
      scf.if %cond3A_61 {
        %add3A_134 = arith.constant 1 : i32
        %add3A_135 = arith.addi %scan3A_41, %add3A_134 : i32
        %mul3A_136 = arith.constant 4 : i32
        %mul3A_137 = arith.muli %mul3A_136, %add3A_135 : i32
        %add3A_138 = arith.constant 0 : i32
        %add3A_139 = arith.addi %mul3A_137, %add3A_138 : i32
        %dma_start3A_140 = arith.constant 0 : i32
        %dma_start3A_141 = tpu.memref_slice %arg6[%add3A_139, %dma_start3A_140] : memref<32x128xi32, #tpu.memory_space<vmem>> -> memref<1x128xi32, #tpu.memory_space<vmem>>
        %dma_start3A_142 = tpu.memref_squeeze %dma_start3A_141 : memref<1x128xi32, #tpu.memory_space<vmem>> -> memref<128xi32, #tpu.memory_space<vmem>>
        %dma_start3A_143 = arith.constant 0 : i32
        %dma_start3A_144 = arith.constant 0 : i32
        %dma_start3A_145 = tpu.memref_slice %arg4[%dma_start3A_143, %dma_start3A_144] : memref<254898x16xf32, #tpu.memory_space<hbm>> -> memref<254898x16xf32, #tpu.memory_space<hbm>>
        tpu.enqueue_indirect_dma source(%dma_start3A_145 : memref<254898x16xf32, #tpu.memory_space<hbm>>) target(%arg7 : memref<128x16xf32, #tpu.memory_space<vmem>>) offsets(%dma_start3A_142 : memref<128xi32, #tpu.memory_space<vmem>>) semaphore(%arg13 : memref<!tpu.dma_semaphore, #tpu.memory_space<semaphore_mem>>)
      } else {
      }
      %dma_wait3A_62 = arith.constant 0 : i32
      %dma_wait3A_63 = arith.constant 0 : i32
      %dma_wait3A_64 = tpu.memref_slice %arg4[%dma_wait3A_62, %dma_wait3A_63] : memref<254898x16xf32, #tpu.memory_space<hbm>> -> memref<128x16xf32, #tpu.memory_space<hbm>>
      %dma_wait3A_65 = arith.constant 0 : i32
      %dma_wait3A_66 = arith.constant 0 : i32
      %dma_wait3A_67 = tpu.memref_slice %arg4[%dma_wait3A_65, %dma_wait3A_66] : memref<254898x16xf32, #tpu.memory_space<hbm>> -> memref<128x16xf32, #tpu.memory_space<hbm>>
      tpu.wait_dma2 semaphore(%arg14 : memref<!tpu.dma_semaphore, #tpu.memory_space<semaphore_mem>>) src(%dma_wait3A_67 : memref<128x16xf32, #tpu.memory_space<hbm>>) dst(%arg8 : memref<128x16xf32, #tpu.memory_space<vmem>>)
      %mul3A_68 = arith.constant 2 : i32
      %mul3A_69 = arith.muli %mul3A_68, %scan3A_41 : i32
      %add3A_70 = arith.constant 0 : i32
      %add3A_71 = arith.addi %mul3A_69, %add3A_70 : i32
      %scan3A_72 = arith.constant 0 : i32
      %scan3A_73 = arith.constant 0 : i32
      %scan3A_74 = arith.constant 17 : i32
      %scan3A_75 = arith.addi %scan3A_73, %scan3A_74 : i32
      %scan3A_76 = arith.constant 1 : i32
      %scan3A_77 = scf.for %scan3A_134 = %scan3A_73 to %scan3A_75 step %scan3A_76 iter_args(%scan3A_135 = %scan3A_72) -> (i32)  : i32 {
        %mul3A_136 = arith.constant 4 : i32
        %mul3A_137 = arith.muli %mul3A_136, %scan3A_134 : i32
        %get3A = arith.index_cast %mul3A_137 : i32 to index
        %get3A_138 = arith.constant 0 : index
        %get3A_139 = tpu.vector_load %arg8[%get3A, %get3A_138] {strides = array<i32>} : memref<128x16xf32, #tpu.memory_space<vmem>>, vector<1x16xf32>,
        %get3A_140 = vector.shape_cast %get3A_139 : vector<1x16xf32> to vector<16xf32>
        %mul3A_141 = arith.constant 4 : i32
        %mul3A_142 = arith.muli %mul3A_141, %scan3A_134 : i32
        %add3A_143 = arith.constant 1 : i32
        %add3A_144 = arith.addi %mul3A_142, %add3A_143 : i32
        %get3A_145 = arith.index_cast %add3A_144 : i32 to index
        %get3A_146 = arith.constant 0 : index
        %get3A_147 = tpu.vector_load %arg8[%get3A_145, %get3A_146] {strides = array<i32>} : memref<128x16xf32, #tpu.memory_space<vmem>>, vector<1x16xf32>,
        %get3A_148 = vector.shape_cast %get3A_147 : vector<1x16xf32> to vector<16xf32>
        %sub3A = arith.subf %get3A_140, %get3A_148 : vector<16xf32>
        %mul3A_149 = arith.constant 4 : i32
        %mul3A_150 = arith.muli %mul3A_149, %scan3A_134 : i32
        %add3A_151 = arith.constant 2 : i32
        %add3A_152 = arith.addi %mul3A_150, %add3A_151 : i32
        %get3A_153 = arith.index_cast %add3A_152 : i32 to index
        %get3A_154 = arith.constant 0 : index
        %get3A_155 = tpu.vector_load %arg8[%get3A_153, %get3A_154] {strides = array<i32>} : memref<128x16xf32, #tpu.memory_space<vmem>>, vector<1x16xf32>,
        %get3A_156 = vector.shape_cast %get3A_155 : vector<1x16xf32> to vector<16xf32>
        %sub3A_157 = arith.subf %sub3A, %get3A_156 : vector<16xf32>
        %mul3A_158 = arith.constant 4 : i32
        %mul3A_159 = arith.muli %mul3A_158, %scan3A_134 : i32
        %add3A_160 = arith.constant 3 : i32
        %add3A_161 = arith.addi %mul3A_159, %add3A_160 : i32
        %get3A_162 = arith.index_cast %add3A_161 : i32 to index
        %get3A_163 = arith.constant 0 : index
        %get3A_164 = tpu.vector_load %arg8[%get3A_162, %get3A_163] {strides = array<i32>} : memref<128x16xf32, #tpu.memory_space<vmem>>, vector<1x16xf32>,
        %get3A_165 = vector.shape_cast %get3A_164 : vector<1x16xf32> to vector<16xf32>
        %add3A_166 = arith.addf %sub3A_157, %get3A_165 : vector<16xf32>
        %mul3A_167 = arith.constant 56 : i32
        %mul3A_168 = arith.muli %add3A_71, %mul3A_167 : i32
        %add3A_169 = arith.constant 32 : i32
        %add3A_170 = arith.addi %mul3A_168, %add3A_169 : i32
        %add3A_171 = arith.addi %add3A_170, %scan3A_134 : i32
        %get3A_172 = arith.index_cast %add3A_171 : i32 to index
        %get3A_173 = arith.constant 0 : index
        %get3A_174 = tpu.vector_load %arg11[%get3A_172, %get3A_173] {strides = array<i32>} : memref<896x16xf32, #tpu.memory_space<vmem>>, vector<1x16xf32>,
        %get3A_175 = vector.shape_cast %get3A_174 : vector<1x16xf32> to vector<16xf32>
        %mul3A_176 = arith.mulf %add3A_166, %get3A_175 : vector<16xf32>
        %mul3A_177 = arith.constant 49 : i32
        %mul3A_178 = arith.muli %add3A_71, %mul3A_177 : i32
        %add3A_179 = arith.constant 32 : i32
        %add3A_180 = arith.addi %mul3A_178, %add3A_179 : i32
        %add3A_181 = arith.addi %add3A_180, %scan3A_134 : i32
        %swap3A = arith.index_cast %add3A_181 : i32 to index
        %swap3A_182 = arith.constant 0 : index
        %swap3A_183 = tpu.vector_load %arg12[%swap3A, %swap3A_182] {strides = array<i32>} : memref<784x16xf32, #tpu.memory_space<vmem>>, vector<1x16xf32>,
        %swap3A_184 = vector.shape_cast %swap3A_183 : vector<1x16xf32> to vector<16xf32>
        %swap3A_185 = vector.shape_cast %mul3A_176 : vector<16xf32> to vector<1x16xf32>
        tpu.vector_store %arg12[%swap3A, %swap3A_182], %swap3A_185 {strides = array<i32>} : memref<784x16xf32, #tpu.memory_space<vmem>>, vector<1x16xf32>,
        %scan3A_186 = arith.constant 0 : i32
        scf.yield %scan3A_186 : i32
      }
      %scan3A_78 = arith.constant 17 : i32
      %add3A_79 = arith.constant 1 : i32
      %add3A_80 = arith.addi %scan3A_41, %add3A_79 : i32
      %lt3A_81 = arith.constant 8 : i32
      %lt3A_82 = arith.cmpi slt, %add3A_80, %lt3A_81 : i32
      %convert_element_type3A_83 = arith.extui %lt3A_82 : i1 to i32
      %cond3A_84 = arith.constant 0 : i32
      %cond3A_85 = arith.cmpi ne, %convert_element_type3A_83, %cond3A_84 : i32
      scf.if %cond3A_85 {
        %add3A_134 = arith.constant 1 : i32
        %add3A_135 = arith.addi %scan3A_41, %add3A_134 : i32
        %mul3A_136 = arith.constant 4 : i32
        %mul3A_137 = arith.muli %mul3A_136, %add3A_135 : i32
        %add3A_138 = arith.constant 1 : i32
        %add3A_139 = arith.addi %mul3A_137, %add3A_138 : i32
        %dma_start3A_140 = arith.constant 0 : i32
        %dma_start3A_141 = tpu.memref_slice %arg6[%add3A_139, %dma_start3A_140] : memref<32x128xi32, #tpu.memory_space<vmem>> -> memref<1x128xi32, #tpu.memory_space<vmem>>
        %dma_start3A_142 = tpu.memref_squeeze %dma_start3A_141 : memref<1x128xi32, #tpu.memory_space<vmem>> -> memref<128xi32, #tpu.memory_space<vmem>>
        %dma_start3A_143 = arith.constant 0 : i32
        %dma_start3A_144 = arith.constant 0 : i32
        %dma_start3A_145 = tpu.memref_slice %arg4[%dma_start3A_143, %dma_start3A_144] : memref<254898x16xf32, #tpu.memory_space<hbm>> -> memref<254898x16xf32, #tpu.memory_space<hbm>>
        tpu.enqueue_indirect_dma source(%dma_start3A_145 : memref<254898x16xf32, #tpu.memory_space<hbm>>) target(%arg8 : memref<128x16xf32, #tpu.memory_space<vmem>>) offsets(%dma_start3A_142 : memref<128xi32, #tpu.memory_space<vmem>>) semaphore(%arg14 : memref<!tpu.dma_semaphore, #tpu.memory_space<semaphore_mem>>)
      } else {
      }
      %dma_wait3A_86 = arith.constant 0 : i32
      %dma_wait3A_87 = arith.constant 0 : i32
      %dma_wait3A_88 = tpu.memref_slice %arg4[%dma_wait3A_86, %dma_wait3A_87] : memref<254898x16xf32, #tpu.memory_space<hbm>> -> memref<128x16xf32, #tpu.memory_space<hbm>>
      %dma_wait3A_89 = arith.constant 0 : i32
      %dma_wait3A_90 = arith.constant 0 : i32
      %dma_wait3A_91 = tpu.memref_slice %arg4[%dma_wait3A_89, %dma_wait3A_90] : memref<254898x16xf32, #tpu.memory_space<hbm>> -> memref<128x16xf32, #tpu.memory_space<hbm>>
      tpu.wait_dma2 semaphore(%arg15 : memref<!tpu.dma_semaphore, #tpu.memory_space<semaphore_mem>>) src(%dma_wait3A_91 : memref<128x16xf32, #tpu.memory_space<hbm>>) dst(%arg9 : memref<128x16xf32, #tpu.memory_space<vmem>>)
      %mul3A_92 = arith.constant 2 : i32
      %mul3A_93 = arith.muli %mul3A_92, %scan3A_41 : i32
      %add3A_94 = arith.constant 1 : i32
      %add3A_95 = arith.addi %mul3A_93, %add3A_94 : i32
      %scan3A_96 = arith.constant 0 : i32
      %scan3A_97 = arith.constant 0 : i32
      %scan3A_98 = arith.constant 32 : i32
      %scan3A_99 = arith.addi %scan3A_97, %scan3A_98 : i32
      %scan3A_100 = arith.constant 1 : i32
      %scan3A_101 = scf.for %scan3A_134 = %scan3A_97 to %scan3A_99 step %scan3A_100 iter_args(%scan3A_135 = %scan3A_96) -> (i32)  : i32 {
        %mul3A_136 = arith.constant 4 : i32
        %mul3A_137 = arith.muli %mul3A_136, %scan3A_134 : i32
        %get3A = arith.index_cast %mul3A_137 : i32 to index
        %get3A_138 = arith.constant 0 : index
        %get3A_139 = tpu.vector_load %arg9[%get3A, %get3A_138] {strides = array<i32>} : memref<128x16xf32, #tpu.memory_space<vmem>>, vector<1x16xf32>,
        %get3A_140 = vector.shape_cast %get3A_139 : vector<1x16xf32> to vector<16xf32>
        %mul3A_141 = arith.constant 4 : i32
        %mul3A_142 = arith.muli %mul3A_141, %scan3A_134 : i32
        %add3A_143 = arith.constant 1 : i32
        %add3A_144 = arith.addi %mul3A_142, %add3A_143 : i32
        %get3A_145 = arith.index_cast %add3A_144 : i32 to index
        %get3A_146 = arith.constant 0 : index
        %get3A_147 = tpu.vector_load %arg9[%get3A_145, %get3A_146] {strides = array<i32>} : memref<128x16xf32, #tpu.memory_space<vmem>>, vector<1x16xf32>,
        %get3A_148 = vector.shape_cast %get3A_147 : vector<1x16xf32> to vector<16xf32>
        %sub3A = arith.subf %get3A_140, %get3A_148 : vector<16xf32>
        %mul3A_149 = arith.constant 4 : i32
        %mul3A_150 = arith.muli %mul3A_149, %scan3A_134 : i32
        %add3A_151 = arith.constant 2 : i32
        %add3A_152 = arith.addi %mul3A_150, %add3A_151 : i32
        %get3A_153 = arith.index_cast %add3A_152 : i32 to index
        %get3A_154 = arith.constant 0 : index
        %get3A_155 = tpu.vector_load %arg9[%get3A_153, %get3A_154] {strides = array<i32>} : memref<128x16xf32, #tpu.memory_space<vmem>>, vector<1x16xf32>,
        %get3A_156 = vector.shape_cast %get3A_155 : vector<1x16xf32> to vector<16xf32>
        %sub3A_157 = arith.subf %sub3A, %get3A_156 : vector<16xf32>
        %mul3A_158 = arith.constant 4 : i32
        %mul3A_159 = arith.muli %mul3A_158, %scan3A_134 : i32
        %add3A_160 = arith.constant 3 : i32
        %add3A_161 = arith.addi %mul3A_159, %add3A_160 : i32
        %get3A_162 = arith.index_cast %add3A_161 : i32 to index
        %get3A_163 = arith.constant 0 : index
        %get3A_164 = tpu.vector_load %arg9[%get3A_162, %get3A_163] {strides = array<i32>} : memref<128x16xf32, #tpu.memory_space<vmem>>, vector<1x16xf32>,
        %get3A_165 = vector.shape_cast %get3A_164 : vector<1x16xf32> to vector<16xf32>
        %add3A_166 = arith.addf %sub3A_157, %get3A_165 : vector<16xf32>
        %mul3A_167 = arith.constant 56 : i32
        %mul3A_168 = arith.muli %add3A_95, %mul3A_167 : i32
        %add3A_169 = arith.constant 0 : i32
        %add3A_170 = arith.addi %mul3A_168, %add3A_169 : i32
        %add3A_171 = arith.addi %add3A_170, %scan3A_134 : i32
        %get3A_172 = arith.index_cast %add3A_171 : i32 to index
        %get3A_173 = arith.constant 0 : index
        %get3A_174 = tpu.vector_load %arg11[%get3A_172, %get3A_173] {strides = array<i32>} : memref<896x16xf32, #tpu.memory_space<vmem>>, vector<1x16xf32>,
        %get3A_175 = vector.shape_cast %get3A_174 : vector<1x16xf32> to vector<16xf32>
        %mul3A_176 = arith.mulf %add3A_166, %get3A_175 : vector<16xf32>
        %mul3A_177 = arith.constant 49 : i32
        %mul3A_178 = arith.muli %add3A_95, %mul3A_177 : i32
        %add3A_179 = arith.constant 0 : i32
        %add3A_180 = arith.addi %mul3A_178, %add3A_179 : i32
        %add3A_181 = arith.addi %add3A_180, %scan3A_134 : i32
        %swap3A = arith.index_cast %add3A_181 : i32 to index
        %swap3A_182 = arith.constant 0 : index
        %swap3A_183 = tpu.vector_load %arg12[%swap3A, %swap3A_182] {strides = array<i32>} : memref<784x16xf32, #tpu.memory_space<vmem>>, vector<1x16xf32>,
        %swap3A_184 = vector.shape_cast %swap3A_183 : vector<1x16xf32> to vector<16xf32>
        %swap3A_185 = vector.shape_cast %mul3A_176 : vector<16xf32> to vector<1x16xf32>
        tpu.vector_store %arg12[%swap3A, %swap3A_182], %swap3A_185 {strides = array<i32>} : memref<784x16xf32, #tpu.memory_space<vmem>>, vector<1x16xf32>,
        %scan3A_186 = arith.constant 0 : i32
        scf.yield %scan3A_186 : i32
      }
      %scan3A_102 = arith.constant 32 : i32
      %add3A_103 = arith.constant 1 : i32
      %add3A_104 = arith.addi %scan3A_41, %add3A_103 : i32
      %lt3A_105 = arith.constant 8 : i32
      %lt3A_106 = arith.cmpi slt, %add3A_104, %lt3A_105 : i32
      %convert_element_type3A_107 = arith.extui %lt3A_106 : i1 to i32
      %cond3A_108 = arith.constant 0 : i32
      %cond3A_109 = arith.cmpi ne, %convert_element_type3A_107, %cond3A_108 : i32
      scf.if %cond3A_109 {
        %add3A_134 = arith.constant 1 : i32
        %add3A_135 = arith.addi %scan3A_41, %add3A_134 : i32
        %mul3A_136 = arith.constant 4 : i32
        %mul3A_137 = arith.muli %mul3A_136, %add3A_135 : i32
        %add3A_138 = arith.constant 2 : i32
        %add3A_139 = arith.addi %mul3A_137, %add3A_138 : i32
        %dma_start3A_140 = arith.constant 0 : i32
        %dma_start3A_141 = tpu.memref_slice %arg6[%add3A_139, %dma_start3A_140] : memref<32x128xi32, #tpu.memory_space<vmem>> -> memref<1x128xi32, #tpu.memory_space<vmem>>
        %dma_start3A_142 = tpu.memref_squeeze %dma_start3A_141 : memref<1x128xi32, #tpu.memory_space<vmem>> -> memref<128xi32, #tpu.memory_space<vmem>>
        %dma_start3A_143 = arith.constant 0 : i32
        %dma_start3A_144 = arith.constant 0 : i32
        %dma_start3A_145 = tpu.memref_slice %arg4[%dma_start3A_143, %dma_start3A_144] : memref<254898x16xf32, #tpu.memory_space<hbm>> -> memref<254898x16xf32, #tpu.memory_space<hbm>>
        tpu.enqueue_indirect_dma source(%dma_start3A_145 : memref<254898x16xf32, #tpu.memory_space<hbm>>) target(%arg9 : memref<128x16xf32, #tpu.memory_space<vmem>>) offsets(%dma_start3A_142 : memref<128xi32, #tpu.memory_space<vmem>>) semaphore(%arg15 : memref<!tpu.dma_semaphore, #tpu.memory_space<semaphore_mem>>)
      } else {
      }
      %dma_wait3A_110 = arith.constant 0 : i32
      %dma_wait3A_111 = arith.constant 0 : i32
      %dma_wait3A_112 = tpu.memref_slice %arg4[%dma_wait3A_110, %dma_wait3A_111] : memref<254898x16xf32, #tpu.memory_space<hbm>> -> memref<128x16xf32, #tpu.memory_space<hbm>>
      %dma_wait3A_113 = arith.constant 0 : i32
      %dma_wait3A_114 = arith.constant 0 : i32
      %dma_wait3A_115 = tpu.memref_slice %arg4[%dma_wait3A_113, %dma_wait3A_114] : memref<254898x16xf32, #tpu.memory_space<hbm>> -> memref<128x16xf32, #tpu.memory_space<hbm>>
      tpu.wait_dma2 semaphore(%arg16 : memref<!tpu.dma_semaphore, #tpu.memory_space<semaphore_mem>>) src(%dma_wait3A_115 : memref<128x16xf32, #tpu.memory_space<hbm>>) dst(%arg10 : memref<128x16xf32, #tpu.memory_space<vmem>>)
      %mul3A_116 = arith.constant 2 : i32
      %mul3A_117 = arith.muli %mul3A_116, %scan3A_41 : i32
      %add3A_118 = arith.constant 1 : i32
      %add3A_119 = arith.addi %mul3A_117, %add3A_118 : i32
      %scan3A_120 = arith.constant 0 : i32
      %scan3A_121 = arith.constant 0 : i32
      %scan3A_122 = arith.constant 17 : i32
      %scan3A_123 = arith.addi %scan3A_121, %scan3A_122 : i32
      %scan3A_124 = arith.constant 1 : i32
      %scan3A_125 = scf.for %scan3A_134 = %scan3A_121 to %scan3A_123 step %scan3A_124 iter_args(%scan3A_135 = %scan3A_120) -> (i32)  : i32 {
        %mul3A_136 = arith.constant 4 : i32
        %mul3A_137 = arith.muli %mul3A_136, %scan3A_134 : i32
        %get3A = arith.index_cast %mul3A_137 : i32 to index
        %get3A_138 = arith.constant 0 : index
        %get3A_139 = tpu.vector_load %arg10[%get3A, %get3A_138] {strides = array<i32>} : memref<128x16xf32, #tpu.memory_space<vmem>>, vector<1x16xf32>,
        %get3A_140 = vector.shape_cast %get3A_139 : vector<1x16xf32> to vector<16xf32>
        %mul3A_141 = arith.constant 4 : i32
        %mul3A_142 = arith.muli %mul3A_141, %scan3A_134 : i32
        %add3A_143 = arith.constant 1 : i32
        %add3A_144 = arith.addi %mul3A_142, %add3A_143 : i32
        %get3A_145 = arith.index_cast %add3A_144 : i32 to index
        %get3A_146 = arith.constant 0 : index
        %get3A_147 = tpu.vector_load %arg10[%get3A_145, %get3A_146] {strides = array<i32>} : memref<128x16xf32, #tpu.memory_space<vmem>>, vector<1x16xf32>,
        %get3A_148 = vector.shape_cast %get3A_147 : vector<1x16xf32> to vector<16xf32>
        %sub3A = arith.subf %get3A_140, %get3A_148 : vector<16xf32>
        %mul3A_149 = arith.constant 4 : i32
        %mul3A_150 = arith.muli %mul3A_149, %scan3A_134 : i32
        %add3A_151 = arith.constant 2 : i32
        %add3A_152 = arith.addi %mul3A_150, %add3A_151 : i32
        %get3A_153 = arith.index_cast %add3A_152 : i32 to index
        %get3A_154 = arith.constant 0 : index
        %get3A_155 = tpu.vector_load %arg10[%get3A_153, %get3A_154] {strides = array<i32>} : memref<128x16xf32, #tpu.memory_space<vmem>>, vector<1x16xf32>,
        %get3A_156 = vector.shape_cast %get3A_155 : vector<1x16xf32> to vector<16xf32>
        %sub3A_157 = arith.subf %sub3A, %get3A_156 : vector<16xf32>
        %mul3A_158 = arith.constant 4 : i32
        %mul3A_159 = arith.muli %mul3A_158, %scan3A_134 : i32
        %add3A_160 = arith.constant 3 : i32
        %add3A_161 = arith.addi %mul3A_159, %add3A_160 : i32
        %get3A_162 = arith.index_cast %add3A_161 : i32 to index
        %get3A_163 = arith.constant 0 : index
        %get3A_164 = tpu.vector_load %arg10[%get3A_162, %get3A_163] {strides = array<i32>} : memref<128x16xf32, #tpu.memory_space<vmem>>, vector<1x16xf32>,
        %get3A_165 = vector.shape_cast %get3A_164 : vector<1x16xf32> to vector<16xf32>
        %add3A_166 = arith.addf %sub3A_157, %get3A_165 : vector<16xf32>
        %mul3A_167 = arith.constant 56 : i32
        %mul3A_168 = arith.muli %add3A_119, %mul3A_167 : i32
        %add3A_169 = arith.constant 32 : i32
        %add3A_170 = arith.addi %mul3A_168, %add3A_169 : i32
        %add3A_171 = arith.addi %add3A_170, %scan3A_134 : i32
        %get3A_172 = arith.index_cast %add3A_171 : i32 to index
        %get3A_173 = arith.constant 0 : index
        %get3A_174 = tpu.vector_load %arg11[%get3A_172, %get3A_173] {strides = array<i32>} : memref<896x16xf32, #tpu.memory_space<vmem>>, vector<1x16xf32>,
        %get3A_175 = vector.shape_cast %get3A_174 : vector<1x16xf32> to vector<16xf32>
        %mul3A_176 = arith.mulf %add3A_166, %get3A_175 : vector<16xf32>
        %mul3A_177 = arith.constant 49 : i32
        %mul3A_178 = arith.muli %add3A_119, %mul3A_177 : i32
        %add3A_179 = arith.constant 32 : i32
        %add3A_180 = arith.addi %mul3A_178, %add3A_179 : i32
        %add3A_181 = arith.addi %add3A_180, %scan3A_134 : i32
        %swap3A = arith.index_cast %add3A_181 : i32 to index
        %swap3A_182 = arith.constant 0 : index
        %swap3A_183 = tpu.vector_load %arg12[%swap3A, %swap3A_182] {strides = array<i32>} : memref<784x16xf32, #tpu.memory_space<vmem>>, vector<1x16xf32>,
        %swap3A_184 = vector.shape_cast %swap3A_183 : vector<1x16xf32> to vector<16xf32>
        %swap3A_185 = vector.shape_cast %mul3A_176 : vector<16xf32> to vector<1x16xf32>
        tpu.vector_store %arg12[%swap3A, %swap3A_182], %swap3A_185 {strides = array<i32>} : memref<784x16xf32, #tpu.memory_space<vmem>>, vector<1x16xf32>,
        %scan3A_186 = arith.constant 0 : i32
        scf.yield %scan3A_186 : i32
      }
      %scan3A_126 = arith.constant 17 : i32
      %add3A_127 = arith.constant 1 : i32
      %add3A_128 = arith.addi %scan3A_41, %add3A_127 : i32
      %lt3A_129 = arith.constant 8 : i32
      %lt3A_130 = arith.cmpi slt, %add3A_128, %lt3A_129 : i32
      %convert_element_type3A_131 = arith.extui %lt3A_130 : i1 to i32
      %cond3A_132 = arith.constant 0 : i32
      %cond3A_133 = arith.cmpi ne, %convert_element_type3A_131, %cond3A_132 : i32
      scf.if %cond3A_133 {
        %add3A_134 = arith.constant 1 : i32
        %add3A_135 = arith.addi %scan3A_41, %add3A_134 : i32
        %mul3A_136 = arith.constant 4 : i32
        %mul3A_137 = arith.muli %mul3A_136, %add3A_135 : i32
        %add3A_138 = arith.constant 3 : i32
        %add3A_139 = arith.addi %mul3A_137, %add3A_138 : i32
        %dma_start3A_140 = arith.constant 0 : i32
        %dma_start3A_141 = tpu.memref_slice %arg6[%add3A_139, %dma_start3A_140] : memref<32x128xi32, #tpu.memory_space<vmem>> -> memref<1x128xi32, #tpu.memory_space<vmem>>
        %dma_start3A_142 = tpu.memref_squeeze %dma_start3A_141 : memref<1x128xi32, #tpu.memory_space<vmem>> -> memref<128xi32, #tpu.memory_space<vmem>>
        %dma_start3A_143 = arith.constant 0 : i32
        %dma_start3A_144 = arith.constant 0 : i32
        %dma_start3A_145 = tpu.memref_slice %arg4[%dma_start3A_143, %dma_start3A_144] : memref<254898x16xf32, #tpu.memory_space<hbm>> -> memref<254898x16xf32, #tpu.memory_space<hbm>>
        tpu.enqueue_indirect_dma source(%dma_start3A_145 : memref<254898x16xf32, #tpu.memory_space<hbm>>) target(%arg10 : memref<128x16xf32, #tpu.memory_space<vmem>>) offsets(%dma_start3A_142 : memref<128xi32, #tpu.memory_space<vmem>>) semaphore(%arg16 : memref<!tpu.dma_semaphore, #tpu.memory_space<semaphore_mem>>)
      } else {
      }
    }
    %scan3A_38 = arith.constant 8 : i32
    %mul3A_39 = arith.constant 784 : i32
    %mul3A_40 = arith.muli %add3A, %mul3A_39 : i32
    "tpu.region"() ({
      %run_scoped3A = tpu.sem_alloc : memref<!tpu.dma_semaphore, #tpu.memory_space<semaphore_mem>>
      %dma_start3A_41 = arith.constant 0 : i32
      %dma_start3A_42 = tpu.memref_slice %arg5[%mul3A_40, %dma_start3A_41] : memref<25088x16xf32, #tpu.memory_space<hbm>> -> memref<784x16xf32, #tpu.memory_space<hbm>>
      %dma_start3A_43 = arith.constant 0 : i32
      %dma_start3A_44 = tpu.memref_slice %arg5[%mul3A_40, %dma_start3A_43] : memref<25088x16xf32, #tpu.memory_space<hbm>> -> memref<784x16xf32, #tpu.memory_space<hbm>>
      tpu.enqueue_dma source(%arg12 : memref<784x16xf32, #tpu.memory_space<vmem>>) target(%dma_start3A_44 : memref<784x16xf32, #tpu.memory_space<hbm>>) target_semaphore(%run_scoped3A : memref<!tpu.dma_semaphore, #tpu.memory_space<semaphore_mem>>)
      %dma_wait3A = arith.constant 0 : i32
      %dma_wait3A_45 = tpu.memref_slice %arg5[%mul3A_40, %dma_wait3A] : memref<25088x16xf32, #tpu.memory_space<hbm>> -> memref<784x16xf32, #tpu.memory_space<hbm>>
      %dma_wait3A_46 = arith.constant 0 : i32
      %dma_wait3A_47 = tpu.memref_slice %arg5[%mul3A_40, %dma_wait3A_46] : memref<25088x16xf32, #tpu.memory_space<hbm>> -> memref<784x16xf32, #tpu.memory_space<hbm>>
      tpu.wait_dma2 semaphore(%run_scoped3A : memref<!tpu.dma_semaphore, #tpu.memory_space<semaphore_mem>>) src(%arg12 : memref<784x16xf32, #tpu.memory_space<vmem>>) dst(%dma_wait3A_47 : memref<784x16xf32, #tpu.memory_space<hbm>>)
      tpu.yield
    }) : () -> ()
    return
  }
}

module attributes {stable_mosaic.version = 14 : i64} {
  func.func @_fused_tc_body(%arg0: i32, %arg1: memref<1x7x500x50xf32, #tpu.memory_space<vmem>>, %arg2: memref<50x51xbf16, #tpu.memory_space<vmem>>, %arg3: memref<510x500xbf16, #tpu.memory_space<vmem>>, %arg4: memref<512x5xf32, #tpu.memory_space<vmem>>, %arg5: memref<1x1xf32, #tpu.memory_space<vmem>>, %arg6: memref<7x510x51xf32, #tpu.memory_space<vmem>>, %arg7: memref<512x256xi32, #tpu.memory_space<vmem>>, %arg8: memref<512x896xf32, #tpu.memory_space<vmem>>) attributes {dimension_semantics = [#tpu.dimension_semantics<arbitrary>], iteration_bounds = array<i64: 14>, scalar_prefetch = 0 : i64, scratch_operands = 0 : i64, tpu.core_type = #tpu.core_type<tc>, window_params = [{transform_indices = @transform_0, window_bounds = array<i64: 1, 7, 500, 50>}, {pipeline_mode = #tpu.pipeline_mode<synchronous>, transform_indices = @transform_1, window_bounds = array<i64: 50, 51>}, {pipeline_mode = #tpu.pipeline_mode<synchronous>, transform_indices = @transform_2, window_bounds = array<i64: 510, 500>}, {pipeline_mode = #tpu.pipeline_mode<synchronous>, transform_indices = @transform_3, window_bounds = array<i64: 512, 5>}, {pipeline_mode = #tpu.pipeline_mode<synchronous>, transform_indices = @transform_4, window_bounds = array<i64: 1, 1>}, {transform_indices = @transform_5, window_bounds = array<i64: 7, 510, 51>}, {pipeline_mode = #tpu.pipeline_mode<synchronous>, transform_indices = @transform_6, window_bounds = array<i64: 512, 256>}, {pipeline_mode = #tpu.pipeline_mode<synchronous>, transform_indices = @transform_7, window_bounds = array<i64: 512, 896>}]} {
    %get3A = arith.constant 0 : index
    %get3A_0 = arith.constant 0 : index
    %get3A_1 = vector.load %arg3[%get3A, %get3A_0] : memref<510x500xbf16, #tpu.memory_space<vmem>>, vector<510x500xbf16>
    %get3A_2 = arith.constant 0 : index
    %get3A_3 = arith.constant 0 : index
    %get3A_4 = arith.constant 0 : index
    %get3A_5 = arith.constant 0 : index
    %get3A_6 = vector.load %arg1[%get3A_2, %get3A_3, %get3A_4, %get3A_5] : memref<1x7x500x50xf32, #tpu.memory_space<vmem>>, vector<1x1x500x50xf32>
    %get3A_7 = vector.shape_cast %get3A_6 : vector<1x1x500x50xf32> to vector<500x50xf32>
    %convert_element_type3A = arith.truncf %get3A_7 : vector<500x50xf32> to vector<500x50xbf16>
    %convert_element_type3A_8 = arith.extf %convert_element_type3A : vector<500x50xbf16> to vector<500x50xf32>
    %sub3A = arith.subf %get3A_7, %convert_element_type3A_8 : vector<500x50xf32>
    %convert_element_type3A_9 = arith.truncf %sub3A : vector<500x50xf32> to vector<500x50xbf16>
    %dot_general3A = arith.constant dense<0.000000e+00> : vector<510x50xf32>
    %dot_general3A_10 = tpu.matmul %get3A_1, %convert_element_type3A, %dot_general3A {dimension_numbers = #tpu.dot_dimension_numbers<[1], [0], [0], [1], [0, 0, 1, 1], [], []>, transpose_lhs_hint = false} : vector<510x500xbf16>, vector<500x50xbf16>, vector<510x50xf32> -> vector<510x50xf32>
    %dot_general3A_11 = arith.constant dense<0.000000e+00> : vector<510x50xf32>
    %dot_general3A_12 = tpu.matmul %get3A_1, %convert_element_type3A_9, %dot_general3A_11 {dimension_numbers = #tpu.dot_dimension_numbers<[1], [0], [0], [1], [0, 0, 1, 1], [], []>, transpose_lhs_hint = false} : vector<510x500xbf16>, vector<500x50xbf16>, vector<510x50xf32> -> vector<510x50xf32>
    %add3A = arith.addf %dot_general3A_10, %dot_general3A_12 : vector<510x50xf32>
    %convert_element_type3A_13 = arith.truncf %add3A : vector<510x50xf32> to vector<510x50xbf16>
    %convert_element_type3A_14 = arith.extf %convert_element_type3A_13 : vector<510x50xbf16> to vector<510x50xf32>
    %sub3A_15 = arith.subf %add3A, %convert_element_type3A_14 : vector<510x50xf32>
    %convert_element_type3A_16 = arith.truncf %sub3A_15 : vector<510x50xf32> to vector<510x50xbf16>
    %get3A_17 = arith.constant 0 : index
    %get3A_18 = arith.constant 0 : index
    %get3A_19 = vector.load %arg2[%get3A_17, %get3A_18] : memref<50x51xbf16, #tpu.memory_space<vmem>>, vector<50x51xbf16>
    %dot_general3A_20 = arith.constant dense<0.000000e+00> : vector<510x51xf32>
    %dot_general3A_21 = tpu.matmul %convert_element_type3A_13, %get3A_19, %dot_general3A_20 {dimension_numbers = #tpu.dot_dimension_numbers<[1], [0], [0], [1], [0, 0, 1, 1], [], []>, transpose_lhs_hint = false} : vector<510x50xbf16>, vector<50x51xbf16>, vector<510x51xf32> -> vector<510x51xf32>
    %get3A_22 = arith.constant 0 : index
    %get3A_23 = arith.constant 0 : index
    %get3A_24 = vector.load %arg2[%get3A_22, %get3A_23] : memref<50x51xbf16, #tpu.memory_space<vmem>>, vector<50x51xbf16>
    %dot_general3A_25 = arith.constant dense<0.000000e+00> : vector<510x51xf32>
    %dot_general3A_26 = tpu.matmul %convert_element_type3A_16, %get3A_24, %dot_general3A_25 {dimension_numbers = #tpu.dot_dimension_numbers<[1], [0], [0], [1], [0, 0, 1, 1], [], []>, transpose_lhs_hint = false} : vector<510x50xbf16>, vector<50x51xbf16>, vector<510x51xf32> -> vector<510x51xf32>
    %add3A_27 = arith.addf %dot_general3A_21, %dot_general3A_26 : vector<510x51xf32>
    %swap3A = arith.constant 0 : index
    %swap3A_28 = arith.constant 0 : index
    %swap3A_29 = arith.constant 0 : index
    %swap3A_30 = vector.load %arg6[%swap3A, %swap3A_28, %swap3A_29] : memref<7x510x51xf32, #tpu.memory_space<vmem>>, vector<1x510x51xf32>
    %swap3A_31 = vector.shape_cast %swap3A_30 : vector<1x510x51xf32> to vector<510x51xf32>
    %swap3A_32 = vector.shape_cast %add3A_27 : vector<510x51xf32> to vector<1x510x51xf32>
    tpu.vector_store %arg6[%swap3A, %swap3A_28, %swap3A_29], %swap3A_32 {strides = array<i32>} : memref<7x510x51xf32, #tpu.memory_space<vmem>>, vector<1x510x51xf32>,
    %get3A_33 = arith.constant 0 : index
    %get3A_34 = arith.constant 0 : index
    %get3A_35 = vector.load %arg3[%get3A_33, %get3A_34] : memref<510x500xbf16, #tpu.memory_space<vmem>>, vector<510x500xbf16>
    %get3A_36 = arith.constant 0 : index
    %get3A_37 = arith.constant 1 : index
    %get3A_38 = arith.constant 0 : index
    %get3A_39 = arith.constant 0 : index
    %get3A_40 = vector.load %arg1[%get3A_36, %get3A_37, %get3A_38, %get3A_39] : memref<1x7x500x50xf32, #tpu.memory_space<vmem>>, vector<1x1x500x50xf32>
    %get3A_41 = vector.shape_cast %get3A_40 : vector<1x1x500x50xf32> to vector<500x50xf32>
    %convert_element_type3A_42 = arith.truncf %get3A_41 : vector<500x50xf32> to vector<500x50xbf16>
    %convert_element_type3A_43 = arith.extf %convert_element_type3A_42 : vector<500x50xbf16> to vector<500x50xf32>
    %sub3A_44 = arith.subf %get3A_41, %convert_element_type3A_43 : vector<500x50xf32>
    %convert_element_type3A_45 = arith.truncf %sub3A_44 : vector<500x50xf32> to vector<500x50xbf16>
    %dot_general3A_46 = arith.constant dense<0.000000e+00> : vector<510x50xf32>
    %dot_general3A_47 = tpu.matmul %get3A_35, %convert_element_type3A_42, %dot_general3A_46 {dimension_numbers = #tpu.dot_dimension_numbers<[1], [0], [0], [1], [0, 0, 1, 1], [], []>, transpose_lhs_hint = false} : vector<510x500xbf16>, vector<500x50xbf16>, vector<510x50xf32> -> vector<510x50xf32>
    %dot_general3A_48 = arith.constant dense<0.000000e+00> : vector<510x50xf32>
    %dot_general3A_49 = tpu.matmul %get3A_35, %convert_element_type3A_45, %dot_general3A_48 {dimension_numbers = #tpu.dot_dimension_numbers<[1], [0], [0], [1], [0, 0, 1, 1], [], []>, transpose_lhs_hint = false} : vector<510x500xbf16>, vector<500x50xbf16>, vector<510x50xf32> -> vector<510x50xf32>
    %add3A_50 = arith.addf %dot_general3A_47, %dot_general3A_49 : vector<510x50xf32>
    %convert_element_type3A_51 = arith.truncf %add3A_50 : vector<510x50xf32> to vector<510x50xbf16>
    %convert_element_type3A_52 = arith.extf %convert_element_type3A_51 : vector<510x50xbf16> to vector<510x50xf32>
    %sub3A_53 = arith.subf %add3A_50, %convert_element_type3A_52 : vector<510x50xf32>
    %convert_element_type3A_54 = arith.truncf %sub3A_53 : vector<510x50xf32> to vector<510x50xbf16>
    %get3A_55 = arith.constant 0 : index
    %get3A_56 = arith.constant 0 : index
    %get3A_57 = vector.load %arg2[%get3A_55, %get3A_56] : memref<50x51xbf16, #tpu.memory_space<vmem>>, vector<50x51xbf16>
    %dot_general3A_58 = arith.constant dense<0.000000e+00> : vector<510x51xf32>
    %dot_general3A_59 = tpu.matmul %convert_element_type3A_51, %get3A_57, %dot_general3A_58 {dimension_numbers = #tpu.dot_dimension_numbers<[1], [0], [0], [1], [0, 0, 1, 1], [], []>, transpose_lhs_hint = false} : vector<510x50xbf16>, vector<50x51xbf16>, vector<510x51xf32> -> vector<510x51xf32>
    %get3A_60 = arith.constant 0 : index
    %get3A_61 = arith.constant 0 : index
    %get3A_62 = vector.load %arg2[%get3A_60, %get3A_61] : memref<50x51xbf16, #tpu.memory_space<vmem>>, vector<50x51xbf16>
    %dot_general3A_63 = arith.constant dense<0.000000e+00> : vector<510x51xf32>
    %dot_general3A_64 = tpu.matmul %convert_element_type3A_54, %get3A_62, %dot_general3A_63 {dimension_numbers = #tpu.dot_dimension_numbers<[1], [0], [0], [1], [0, 0, 1, 1], [], []>, transpose_lhs_hint = false} : vector<510x50xbf16>, vector<50x51xbf16>, vector<510x51xf32> -> vector<510x51xf32>
    %add3A_65 = arith.addf %dot_general3A_59, %dot_general3A_64 : vector<510x51xf32>
    %swap3A_66 = arith.constant 1 : index
    %swap3A_67 = arith.constant 0 : index
    %swap3A_68 = arith.constant 0 : index
    %swap3A_69 = vector.load %arg6[%swap3A_66, %swap3A_67, %swap3A_68] : memref<7x510x51xf32, #tpu.memory_space<vmem>>, vector<1x510x51xf32>
    %swap3A_70 = vector.shape_cast %swap3A_69 : vector<1x510x51xf32> to vector<510x51xf32>
    %swap3A_71 = vector.shape_cast %add3A_65 : vector<510x51xf32> to vector<1x510x51xf32>
    tpu.vector_store %arg6[%swap3A_66, %swap3A_67, %swap3A_68], %swap3A_71 {strides = array<i32>} : memref<7x510x51xf32, #tpu.memory_space<vmem>>, vector<1x510x51xf32>,
    %get3A_72 = arith.constant 0 : index
    %get3A_73 = arith.constant 0 : index
    %get3A_74 = vector.load %arg3[%get3A_72, %get3A_73] : memref<510x500xbf16, #tpu.memory_space<vmem>>, vector<510x500xbf16>
    %get3A_75 = arith.constant 0 : index
    %get3A_76 = arith.constant 2 : index
    %get3A_77 = arith.constant 0 : index
    %get3A_78 = arith.constant 0 : index
    %get3A_79 = vector.load %arg1[%get3A_75, %get3A_76, %get3A_77, %get3A_78] : memref<1x7x500x50xf32, #tpu.memory_space<vmem>>, vector<1x1x500x50xf32>
    %get3A_80 = vector.shape_cast %get3A_79 : vector<1x1x500x50xf32> to vector<500x50xf32>
    %convert_element_type3A_81 = arith.truncf %get3A_80 : vector<500x50xf32> to vector<500x50xbf16>
    %convert_element_type3A_82 = arith.extf %convert_element_type3A_81 : vector<500x50xbf16> to vector<500x50xf32>
    %sub3A_83 = arith.subf %get3A_80, %convert_element_type3A_82 : vector<500x50xf32>
    %convert_element_type3A_84 = arith.truncf %sub3A_83 : vector<500x50xf32> to vector<500x50xbf16>
    %dot_general3A_85 = arith.constant dense<0.000000e+00> : vector<510x50xf32>
    %dot_general3A_86 = tpu.matmul %get3A_74, %convert_element_type3A_81, %dot_general3A_85 {dimension_numbers = #tpu.dot_dimension_numbers<[1], [0], [0], [1], [0, 0, 1, 1], [], []>, transpose_lhs_hint = false} : vector<510x500xbf16>, vector<500x50xbf16>, vector<510x50xf32> -> vector<510x50xf32>
    %dot_general3A_87 = arith.constant dense<0.000000e+00> : vector<510x50xf32>
    %dot_general3A_88 = tpu.matmul %get3A_74, %convert_element_type3A_84, %dot_general3A_87 {dimension_numbers = #tpu.dot_dimension_numbers<[1], [0], [0], [1], [0, 0, 1, 1], [], []>, transpose_lhs_hint = false} : vector<510x500xbf16>, vector<500x50xbf16>, vector<510x50xf32> -> vector<510x50xf32>
    %add3A_89 = arith.addf %dot_general3A_86, %dot_general3A_88 : vector<510x50xf32>
    %convert_element_type3A_90 = arith.truncf %add3A_89 : vector<510x50xf32> to vector<510x50xbf16>
    %convert_element_type3A_91 = arith.extf %convert_element_type3A_90 : vector<510x50xbf16> to vector<510x50xf32>
    %sub3A_92 = arith.subf %add3A_89, %convert_element_type3A_91 : vector<510x50xf32>
    %convert_element_type3A_93 = arith.truncf %sub3A_92 : vector<510x50xf32> to vector<510x50xbf16>
    %get3A_94 = arith.constant 0 : index
    %get3A_95 = arith.constant 0 : index
    %get3A_96 = vector.load %arg2[%get3A_94, %get3A_95] : memref<50x51xbf16, #tpu.memory_space<vmem>>, vector<50x51xbf16>
    %dot_general3A_97 = arith.constant dense<0.000000e+00> : vector<510x51xf32>
    %dot_general3A_98 = tpu.matmul %convert_element_type3A_90, %get3A_96, %dot_general3A_97 {dimension_numbers = #tpu.dot_dimension_numbers<[1], [0], [0], [1], [0, 0, 1, 1], [], []>, transpose_lhs_hint = false} : vector<510x50xbf16>, vector<50x51xbf16>, vector<510x51xf32> -> vector<510x51xf32>
    %get3A_99 = arith.constant 0 : index
    %get3A_100 = arith.constant 0 : index
    %get3A_101 = vector.load %arg2[%get3A_99, %get3A_100] : memref<50x51xbf16, #tpu.memory_space<vmem>>, vector<50x51xbf16>
    %dot_general3A_102 = arith.constant dense<0.000000e+00> : vector<510x51xf32>
    %dot_general3A_103 = tpu.matmul %convert_element_type3A_93, %get3A_101, %dot_general3A_102 {dimension_numbers = #tpu.dot_dimension_numbers<[1], [0], [0], [1], [0, 0, 1, 1], [], []>, transpose_lhs_hint = false} : vector<510x50xbf16>, vector<50x51xbf16>, vector<510x51xf32> -> vector<510x51xf32>
    %add3A_104 = arith.addf %dot_general3A_98, %dot_general3A_103 : vector<510x51xf32>
    %swap3A_105 = arith.constant 2 : index
    %swap3A_106 = arith.constant 0 : index
    %swap3A_107 = arith.constant 0 : index
    %swap3A_108 = vector.load %arg6[%swap3A_105, %swap3A_106, %swap3A_107] : memref<7x510x51xf32, #tpu.memory_space<vmem>>, vector<1x510x51xf32>
    %swap3A_109 = vector.shape_cast %swap3A_108 : vector<1x510x51xf32> to vector<510x51xf32>
    %swap3A_110 = vector.shape_cast %add3A_104 : vector<510x51xf32> to vector<1x510x51xf32>
    tpu.vector_store %arg6[%swap3A_105, %swap3A_106, %swap3A_107], %swap3A_110 {strides = array<i32>} : memref<7x510x51xf32, #tpu.memory_space<vmem>>, vector<1x510x51xf32>,
    %get3A_111 = arith.constant 0 : index
    %get3A_112 = arith.constant 0 : index
    %get3A_113 = vector.load %arg3[%get3A_111, %get3A_112] : memref<510x500xbf16, #tpu.memory_space<vmem>>, vector<510x500xbf16>
    %get3A_114 = arith.constant 0 : index
    %get3A_115 = arith.constant 3 : index
    %get3A_116 = arith.constant 0 : index
    %get3A_117 = arith.constant 0 : index
    %get3A_118 = vector.load %arg1[%get3A_114, %get3A_115, %get3A_116, %get3A_117] : memref<1x7x500x50xf32, #tpu.memory_space<vmem>>, vector<1x1x500x50xf32>
    %get3A_119 = vector.shape_cast %get3A_118 : vector<1x1x500x50xf32> to vector<500x50xf32>
    %convert_element_type3A_120 = arith.truncf %get3A_119 : vector<500x50xf32> to vector<500x50xbf16>
    %convert_element_type3A_121 = arith.extf %convert_element_type3A_120 : vector<500x50xbf16> to vector<500x50xf32>
    %sub3A_122 = arith.subf %get3A_119, %convert_element_type3A_121 : vector<500x50xf32>
    %convert_element_type3A_123 = arith.truncf %sub3A_122 : vector<500x50xf32> to vector<500x50xbf16>
    %dot_general3A_124 = arith.constant dense<0.000000e+00> : vector<510x50xf32>
    %dot_general3A_125 = tpu.matmul %get3A_113, %convert_element_type3A_120, %dot_general3A_124 {dimension_numbers = #tpu.dot_dimension_numbers<[1], [0], [0], [1], [0, 0, 1, 1], [], []>, transpose_lhs_hint = false} : vector<510x500xbf16>, vector<500x50xbf16>, vector<510x50xf32> -> vector<510x50xf32>
    %dot_general3A_126 = arith.constant dense<0.000000e+00> : vector<510x50xf32>
    %dot_general3A_127 = tpu.matmul %get3A_113, %convert_element_type3A_123, %dot_general3A_126 {dimension_numbers = #tpu.dot_dimension_numbers<[1], [0], [0], [1], [0, 0, 1, 1], [], []>, transpose_lhs_hint = false} : vector<510x500xbf16>, vector<500x50xbf16>, vector<510x50xf32> -> vector<510x50xf32>
    %add3A_128 = arith.addf %dot_general3A_125, %dot_general3A_127 : vector<510x50xf32>
    %convert_element_type3A_129 = arith.truncf %add3A_128 : vector<510x50xf32> to vector<510x50xbf16>
    %convert_element_type3A_130 = arith.extf %convert_element_type3A_129 : vector<510x50xbf16> to vector<510x50xf32>
    %sub3A_131 = arith.subf %add3A_128, %convert_element_type3A_130 : vector<510x50xf32>
    %convert_element_type3A_132 = arith.truncf %sub3A_131 : vector<510x50xf32> to vector<510x50xbf16>
    %get3A_133 = arith.constant 0 : index
    %get3A_134 = arith.constant 0 : index
    %get3A_135 = vector.load %arg2[%get3A_133, %get3A_134] : memref<50x51xbf16, #tpu.memory_space<vmem>>, vector<50x51xbf16>
    %dot_general3A_136 = arith.constant dense<0.000000e+00> : vector<510x51xf32>
    %dot_general3A_137 = tpu.matmul %convert_element_type3A_129, %get3A_135, %dot_general3A_136 {dimension_numbers = #tpu.dot_dimension_numbers<[1], [0], [0], [1], [0, 0, 1, 1], [], []>, transpose_lhs_hint = false} : vector<510x50xbf16>, vector<50x51xbf16>, vector<510x51xf32> -> vector<510x51xf32>
    %get3A_138 = arith.constant 0 : index
    %get3A_139 = arith.constant 0 : index
    %get3A_140 = vector.load %arg2[%get3A_138, %get3A_139] : memref<50x51xbf16, #tpu.memory_space<vmem>>, vector<50x51xbf16>
    %dot_general3A_141 = arith.constant dense<0.000000e+00> : vector<510x51xf32>
    %dot_general3A_142 = tpu.matmul %convert_element_type3A_132, %get3A_140, %dot_general3A_141 {dimension_numbers = #tpu.dot_dimension_numbers<[1], [0], [0], [1], [0, 0, 1, 1], [], []>, transpose_lhs_hint = false} : vector<510x50xbf16>, vector<50x51xbf16>, vector<510x51xf32> -> vector<510x51xf32>
    %add3A_143 = arith.addf %dot_general3A_137, %dot_general3A_142 : vector<510x51xf32>
    %swap3A_144 = arith.constant 3 : index
    %swap3A_145 = arith.constant 0 : index
    %swap3A_146 = arith.constant 0 : index
    %swap3A_147 = vector.load %arg6[%swap3A_144, %swap3A_145, %swap3A_146] : memref<7x510x51xf32, #tpu.memory_space<vmem>>, vector<1x510x51xf32>
    %swap3A_148 = vector.shape_cast %swap3A_147 : vector<1x510x51xf32> to vector<510x51xf32>
    %swap3A_149 = vector.shape_cast %add3A_143 : vector<510x51xf32> to vector<1x510x51xf32>
    tpu.vector_store %arg6[%swap3A_144, %swap3A_145, %swap3A_146], %swap3A_149 {strides = array<i32>} : memref<7x510x51xf32, #tpu.memory_space<vmem>>, vector<1x510x51xf32>,
    %get3A_150 = arith.constant 0 : index
    %get3A_151 = arith.constant 0 : index
    %get3A_152 = vector.load %arg3[%get3A_150, %get3A_151] : memref<510x500xbf16, #tpu.memory_space<vmem>>, vector<510x500xbf16>
    %get3A_153 = arith.constant 0 : index
    %get3A_154 = arith.constant 4 : index
    %get3A_155 = arith.constant 0 : index
    %get3A_156 = arith.constant 0 : index
    %get3A_157 = vector.load %arg1[%get3A_153, %get3A_154, %get3A_155, %get3A_156] : memref<1x7x500x50xf32, #tpu.memory_space<vmem>>, vector<1x1x500x50xf32>
    %get3A_158 = vector.shape_cast %get3A_157 : vector<1x1x500x50xf32> to vector<500x50xf32>
    %convert_element_type3A_159 = arith.truncf %get3A_158 : vector<500x50xf32> to vector<500x50xbf16>
    %convert_element_type3A_160 = arith.extf %convert_element_type3A_159 : vector<500x50xbf16> to vector<500x50xf32>
    %sub3A_161 = arith.subf %get3A_158, %convert_element_type3A_160 : vector<500x50xf32>
    %convert_element_type3A_162 = arith.truncf %sub3A_161 : vector<500x50xf32> to vector<500x50xbf16>
    %dot_general3A_163 = arith.constant dense<0.000000e+00> : vector<510x50xf32>
    %dot_general3A_164 = tpu.matmul %get3A_152, %convert_element_type3A_159, %dot_general3A_163 {dimension_numbers = #tpu.dot_dimension_numbers<[1], [0], [0], [1], [0, 0, 1, 1], [], []>, transpose_lhs_hint = false} : vector<510x500xbf16>, vector<500x50xbf16>, vector<510x50xf32> -> vector<510x50xf32>
    %dot_general3A_165 = arith.constant dense<0.000000e+00> : vector<510x50xf32>
    %dot_general3A_166 = tpu.matmul %get3A_152, %convert_element_type3A_162, %dot_general3A_165 {dimension_numbers = #tpu.dot_dimension_numbers<[1], [0], [0], [1], [0, 0, 1, 1], [], []>, transpose_lhs_hint = false} : vector<510x500xbf16>, vector<500x50xbf16>, vector<510x50xf32> -> vector<510x50xf32>
    %add3A_167 = arith.addf %dot_general3A_164, %dot_general3A_166 : vector<510x50xf32>
    %convert_element_type3A_168 = arith.truncf %add3A_167 : vector<510x50xf32> to vector<510x50xbf16>
    %convert_element_type3A_169 = arith.extf %convert_element_type3A_168 : vector<510x50xbf16> to vector<510x50xf32>
    %sub3A_170 = arith.subf %add3A_167, %convert_element_type3A_169 : vector<510x50xf32>
    %convert_element_type3A_171 = arith.truncf %sub3A_170 : vector<510x50xf32> to vector<510x50xbf16>
    %get3A_172 = arith.constant 0 : index
    %get3A_173 = arith.constant 0 : index
    %get3A_174 = vector.load %arg2[%get3A_172, %get3A_173] : memref<50x51xbf16, #tpu.memory_space<vmem>>, vector<50x51xbf16>
    %dot_general3A_175 = arith.constant dense<0.000000e+00> : vector<510x51xf32>
    %dot_general3A_176 = tpu.matmul %convert_element_type3A_168, %get3A_174, %dot_general3A_175 {dimension_numbers = #tpu.dot_dimension_numbers<[1], [0], [0], [1], [0, 0, 1, 1], [], []>, transpose_lhs_hint = false} : vector<510x50xbf16>, vector<50x51xbf16>, vector<510x51xf32> -> vector<510x51xf32>
    %get3A_177 = arith.constant 0 : index
    %get3A_178 = arith.constant 0 : index
    %get3A_179 = vector.load %arg2[%get3A_177, %get3A_178] : memref<50x51xbf16, #tpu.memory_space<vmem>>, vector<50x51xbf16>
    %dot_general3A_180 = arith.constant dense<0.000000e+00> : vector<510x51xf32>
    %dot_general3A_181 = tpu.matmul %convert_element_type3A_171, %get3A_179, %dot_general3A_180 {dimension_numbers = #tpu.dot_dimension_numbers<[1], [0], [0], [1], [0, 0, 1, 1], [], []>, transpose_lhs_hint = false} : vector<510x50xbf16>, vector<50x51xbf16>, vector<510x51xf32> -> vector<510x51xf32>
    %add3A_182 = arith.addf %dot_general3A_176, %dot_general3A_181 : vector<510x51xf32>
    %swap3A_183 = arith.constant 4 : index
    %swap3A_184 = arith.constant 0 : index
    %swap3A_185 = arith.constant 0 : index
    %swap3A_186 = vector.load %arg6[%swap3A_183, %swap3A_184, %swap3A_185] : memref<7x510x51xf32, #tpu.memory_space<vmem>>, vector<1x510x51xf32>
    %swap3A_187 = vector.shape_cast %swap3A_186 : vector<1x510x51xf32> to vector<510x51xf32>
    %swap3A_188 = vector.shape_cast %add3A_182 : vector<510x51xf32> to vector<1x510x51xf32>
    tpu.vector_store %arg6[%swap3A_183, %swap3A_184, %swap3A_185], %swap3A_188 {strides = array<i32>} : memref<7x510x51xf32, #tpu.memory_space<vmem>>, vector<1x510x51xf32>,
    %get3A_189 = arith.constant 0 : index
    %get3A_190 = arith.constant 0 : index
    %get3A_191 = vector.load %arg3[%get3A_189, %get3A_190] : memref<510x500xbf16, #tpu.memory_space<vmem>>, vector<510x500xbf16>
    %get3A_192 = arith.constant 0 : index
    %get3A_193 = arith.constant 5 : index
    %get3A_194 = arith.constant 0 : index
    %get3A_195 = arith.constant 0 : index
    %get3A_196 = vector.load %arg1[%get3A_192, %get3A_193, %get3A_194, %get3A_195] : memref<1x7x500x50xf32, #tpu.memory_space<vmem>>, vector<1x1x500x50xf32>
    %get3A_197 = vector.shape_cast %get3A_196 : vector<1x1x500x50xf32> to vector<500x50xf32>
    %convert_element_type3A_198 = arith.truncf %get3A_197 : vector<500x50xf32> to vector<500x50xbf16>
    %convert_element_type3A_199 = arith.extf %convert_element_type3A_198 : vector<500x50xbf16> to vector<500x50xf32>
    %sub3A_200 = arith.subf %get3A_197, %convert_element_type3A_199 : vector<500x50xf32>
    %convert_element_type3A_201 = arith.truncf %sub3A_200 : vector<500x50xf32> to vector<500x50xbf16>
    %dot_general3A_202 = arith.constant dense<0.000000e+00> : vector<510x50xf32>
    %dot_general3A_203 = tpu.matmul %get3A_191, %convert_element_type3A_198, %dot_general3A_202 {dimension_numbers = #tpu.dot_dimension_numbers<[1], [0], [0], [1], [0, 0, 1, 1], [], []>, transpose_lhs_hint = false} : vector<510x500xbf16>, vector<500x50xbf16>, vector<510x50xf32> -> vector<510x50xf32>
    %dot_general3A_204 = arith.constant dense<0.000000e+00> : vector<510x50xf32>
    %dot_general3A_205 = tpu.matmul %get3A_191, %convert_element_type3A_201, %dot_general3A_204 {dimension_numbers = #tpu.dot_dimension_numbers<[1], [0], [0], [1], [0, 0, 1, 1], [], []>, transpose_lhs_hint = false} : vector<510x500xbf16>, vector<500x50xbf16>, vector<510x50xf32> -> vector<510x50xf32>
    %add3A_206 = arith.addf %dot_general3A_203, %dot_general3A_205 : vector<510x50xf32>
    %convert_element_type3A_207 = arith.truncf %add3A_206 : vector<510x50xf32> to vector<510x50xbf16>
    %convert_element_type3A_208 = arith.extf %convert_element_type3A_207 : vector<510x50xbf16> to vector<510x50xf32>
    %sub3A_209 = arith.subf %add3A_206, %convert_element_type3A_208 : vector<510x50xf32>
    %convert_element_type3A_210 = arith.truncf %sub3A_209 : vector<510x50xf32> to vector<510x50xbf16>
    %get3A_211 = arith.constant 0 : index
    %get3A_212 = arith.constant 0 : index
    %get3A_213 = vector.load %arg2[%get3A_211, %get3A_212] : memref<50x51xbf16, #tpu.memory_space<vmem>>, vector<50x51xbf16>
    %dot_general3A_214 = arith.constant dense<0.000000e+00> : vector<510x51xf32>
    %dot_general3A_215 = tpu.matmul %convert_element_type3A_207, %get3A_213, %dot_general3A_214 {dimension_numbers = #tpu.dot_dimension_numbers<[1], [0], [0], [1], [0, 0, 1, 1], [], []>, transpose_lhs_hint = false} : vector<510x50xbf16>, vector<50x51xbf16>, vector<510x51xf32> -> vector<510x51xf32>
    %get3A_216 = arith.constant 0 : index
    %get3A_217 = arith.constant 0 : index
    %get3A_218 = vector.load %arg2[%get3A_216, %get3A_217] : memref<50x51xbf16, #tpu.memory_space<vmem>>, vector<50x51xbf16>
    %dot_general3A_219 = arith.constant dense<0.000000e+00> : vector<510x51xf32>
    %dot_general3A_220 = tpu.matmul %convert_element_type3A_210, %get3A_218, %dot_general3A_219 {dimension_numbers = #tpu.dot_dimension_numbers<[1], [0], [0], [1], [0, 0, 1, 1], [], []>, transpose_lhs_hint = false} : vector<510x50xbf16>, vector<50x51xbf16>, vector<510x51xf32> -> vector<510x51xf32>
    %add3A_221 = arith.addf %dot_general3A_215, %dot_general3A_220 : vector<510x51xf32>
    %swap3A_222 = arith.constant 5 : index
    %swap3A_223 = arith.constant 0 : index
    %swap3A_224 = arith.constant 0 : index
    %swap3A_225 = vector.load %arg6[%swap3A_222, %swap3A_223, %swap3A_224] : memref<7x510x51xf32, #tpu.memory_space<vmem>>, vector<1x510x51xf32>
    %swap3A_226 = vector.shape_cast %swap3A_225 : vector<1x510x51xf32> to vector<510x51xf32>
    %swap3A_227 = vector.shape_cast %add3A_221 : vector<510x51xf32> to vector<1x510x51xf32>
    tpu.vector_store %arg6[%swap3A_222, %swap3A_223, %swap3A_224], %swap3A_227 {strides = array<i32>} : memref<7x510x51xf32, #tpu.memory_space<vmem>>, vector<1x510x51xf32>,
    %get3A_228 = arith.constant 0 : index
    %get3A_229 = arith.constant 0 : index
    %get3A_230 = vector.load %arg3[%get3A_228, %get3A_229] : memref<510x500xbf16, #tpu.memory_space<vmem>>, vector<510x500xbf16>
    %get3A_231 = arith.constant 0 : index
    %get3A_232 = arith.constant 6 : index
    %get3A_233 = arith.constant 0 : index
    %get3A_234 = arith.constant 0 : index
    %get3A_235 = vector.load %arg1[%get3A_231, %get3A_232, %get3A_233, %get3A_234] : memref<1x7x500x50xf32, #tpu.memory_space<vmem>>, vector<1x1x500x50xf32>
    %get3A_236 = vector.shape_cast %get3A_235 : vector<1x1x500x50xf32> to vector<500x50xf32>
    %convert_element_type3A_237 = arith.truncf %get3A_236 : vector<500x50xf32> to vector<500x50xbf16>
    %convert_element_type3A_238 = arith.extf %convert_element_type3A_237 : vector<500x50xbf16> to vector<500x50xf32>
    %sub3A_239 = arith.subf %get3A_236, %convert_element_type3A_238 : vector<500x50xf32>
    %convert_element_type3A_240 = arith.truncf %sub3A_239 : vector<500x50xf32> to vector<500x50xbf16>
    %dot_general3A_241 = arith.constant dense<0.000000e+00> : vector<510x50xf32>
    %dot_general3A_242 = tpu.matmul %get3A_230, %convert_element_type3A_237, %dot_general3A_241 {dimension_numbers = #tpu.dot_dimension_numbers<[1], [0], [0], [1], [0, 0, 1, 1], [], []>, transpose_lhs_hint = false} : vector<510x500xbf16>, vector<500x50xbf16>, vector<510x50xf32> -> vector<510x50xf32>
    %dot_general3A_243 = arith.constant dense<0.000000e+00> : vector<510x50xf32>
    %dot_general3A_244 = tpu.matmul %get3A_230, %convert_element_type3A_240, %dot_general3A_243 {dimension_numbers = #tpu.dot_dimension_numbers<[1], [0], [0], [1], [0, 0, 1, 1], [], []>, transpose_lhs_hint = false} : vector<510x500xbf16>, vector<500x50xbf16>, vector<510x50xf32> -> vector<510x50xf32>
    %add3A_245 = arith.addf %dot_general3A_242, %dot_general3A_244 : vector<510x50xf32>
    %convert_element_type3A_246 = arith.truncf %add3A_245 : vector<510x50xf32> to vector<510x50xbf16>
    %convert_element_type3A_247 = arith.extf %convert_element_type3A_246 : vector<510x50xbf16> to vector<510x50xf32>
    %sub3A_248 = arith.subf %add3A_245, %convert_element_type3A_247 : vector<510x50xf32>
    %convert_element_type3A_249 = arith.truncf %sub3A_248 : vector<510x50xf32> to vector<510x50xbf16>
    %get3A_250 = arith.constant 0 : index
    %get3A_251 = arith.constant 0 : index
    %get3A_252 = vector.load %arg2[%get3A_250, %get3A_251] : memref<50x51xbf16, #tpu.memory_space<vmem>>, vector<50x51xbf16>
    %dot_general3A_253 = arith.constant dense<0.000000e+00> : vector<510x51xf32>
    %dot_general3A_254 = tpu.matmul %convert_element_type3A_246, %get3A_252, %dot_general3A_253 {dimension_numbers = #tpu.dot_dimension_numbers<[1], [0], [0], [1], [0, 0, 1, 1], [], []>, transpose_lhs_hint = false} : vector<510x50xbf16>, vector<50x51xbf16>, vector<510x51xf32> -> vector<510x51xf32>
    %get3A_255 = arith.constant 0 : index
    %get3A_256 = arith.constant 0 : index
    %get3A_257 = vector.load %arg2[%get3A_255, %get3A_256] : memref<50x51xbf16, #tpu.memory_space<vmem>>, vector<50x51xbf16>
    %dot_general3A_258 = arith.constant dense<0.000000e+00> : vector<510x51xf32>
    %dot_general3A_259 = tpu.matmul %convert_element_type3A_249, %get3A_257, %dot_general3A_258 {dimension_numbers = #tpu.dot_dimension_numbers<[1], [0], [0], [1], [0, 0, 1, 1], [], []>, transpose_lhs_hint = false} : vector<510x50xbf16>, vector<50x51xbf16>, vector<510x51xf32> -> vector<510x51xf32>
    %add3A_260 = arith.addf %dot_general3A_254, %dot_general3A_259 : vector<510x51xf32>
    %swap3A_261 = arith.constant 6 : index
    %swap3A_262 = arith.constant 0 : index
    %swap3A_263 = arith.constant 0 : index
    %swap3A_264 = vector.load %arg6[%swap3A_261, %swap3A_262, %swap3A_263] : memref<7x510x51xf32, #tpu.memory_space<vmem>>, vector<1x510x51xf32>
    %swap3A_265 = vector.shape_cast %swap3A_264 : vector<1x510x51xf32> to vector<510x51xf32>
    %swap3A_266 = vector.shape_cast %add3A_260 : vector<510x51xf32> to vector<1x510x51xf32>
    tpu.vector_store %arg6[%swap3A_261, %swap3A_262, %swap3A_263], %swap3A_266 {strides = array<i32>} : memref<7x510x51xf32, #tpu.memory_space<vmem>>, vector<1x510x51xf32>,
    %eq3A = arith.constant 0 : i32
    %eq3A_267 = arith.cmpi eq, %arg0, %eq3A : i32
    %convert_element_type3A_268 = arith.extui %eq3A_267 : i1 to i32
    %cond3A = arith.constant 0 : i32
    %cond3A_269 = arith.cmpi ne, %convert_element_type3A_268, %cond3A : i32
    scf.if %cond3A_269 {
      %get3A_270 = arith.constant 0 : index
      %get3A_271 = arith.constant 0 : index
      %get3A_272 = vector.load %arg4[%get3A_270, %get3A_271] : memref<512x5xf32, #tpu.memory_space<vmem>>, vector<512x5xf32>
      %get3A_273 = arith.constant 0 : index
      %get3A_274 = arith.constant 0 : index
      %get3A_275 = vector.load %arg5[%get3A_273, %get3A_274] : memref<1x1xf32, #tpu.memory_space<vmem>>, vector<1x1xf32>
      %get3A_276 = vector.extract %get3A_275[0, 0] : f32 from vector<1x1xf32>
      %slice3A = vector.extract_strided_slice %get3A_272 {offsets = [0, 0], sizes = [512, 1], strides = [1, 1]} : vector<512x5xf32> to vector<512x1xf32>
      %convert_element_type3A_277 = arith.fptosi %slice3A : vector<512x1xf32> to vector<512x1xi32>
      %slice3A_278 = vector.extract_strided_slice %get3A_272 {offsets = [0, 1], sizes = [512, 1], strides = [1, 1]} : vector<512x5xf32> to vector<512x1xf32>
      %mul3A = vector.broadcast %get3A_276 : f32 to vector<512x1xf32>
      %mul3A_279 = arith.mulf %slice3A_278, %mul3A : vector<512x1xf32>
      %slice3A_280 = vector.extract_strided_slice %get3A_272 {offsets = [0, 2], sizes = [512, 1], strides = [1, 1]} : vector<512x5xf32> to vector<512x1xf32>
      %mul3A_281 = vector.broadcast %get3A_276 : f32 to vector<512x1xf32>
      %mul3A_282 = arith.mulf %slice3A_280, %mul3A_281 : vector<512x1xf32>
      %slice3A_283 = vector.extract_strided_slice %get3A_272 {offsets = [0, 3], sizes = [512, 1], strides = [1, 1]} : vector<512x5xf32> to vector<512x1xf32>
      %mul3A_284 = vector.broadcast %get3A_276 : f32 to vector<512x1xf32>
      %mul3A_285 = arith.mulf %slice3A_283, %mul3A_284 : vector<512x1xf32>
      %slice3A_286 = vector.extract_strided_slice %get3A_272 {offsets = [0, 4], sizes = [512, 1], strides = [1, 1]} : vector<512x5xf32> to vector<512x1xf32>
      %mul3A_287 = vector.broadcast %get3A_276 : f32 to vector<512x1xf32>
      %mul3A_288 = arith.mulf %slice3A_286, %mul3A_287 : vector<512x1xf32>
      %sub3A_289 = arith.subf %mul3A_285, %mul3A_279 : vector<512x1xf32>
      %max3A = arith.constant 1.000000e-01 : f32
      %max3A_290 = vector.broadcast %max3A : f32 to vector<512x1xf32>
      %max3A_291 = arith.maximumf %sub3A_289, %max3A_290 : vector<512x1xf32>
      %sub3A_292 = arith.subf %mul3A_288, %mul3A_282 : vector<512x1xf32>
      %max3A_293 = arith.constant 1.000000e-01 : f32
      %max3A_294 = vector.broadcast %max3A_293 : f32 to vector<512x1xf32>
      %max3A_295 = arith.maximumf %sub3A_292, %max3A_294 : vector<512x1xf32>
      %add3A_296 = arith.addf %mul3A_279, %mul3A_285 : vector<512x1xf32>
      %mul3A_297 = arith.constant 5.000000e-01 : f32
      %mul3A_298 = vector.broadcast %mul3A_297 : f32 to vector<512x1xf32>
      %mul3A_299 = arith.mulf %mul3A_298, %add3A_296 : vector<512x1xf32>
      %add3A_300 = arith.addf %mul3A_282, %mul3A_288 : vector<512x1xf32>
      %mul3A_301 = arith.constant 5.000000e-01 : f32
      %mul3A_302 = vector.broadcast %mul3A_301 : f32 to vector<512x1xf32>
      %mul3A_303 = arith.mulf %mul3A_302, %add3A_300 : vector<512x1xf32>
      %mul3A_304 = arith.constant 1.200000e+00 : f32
      %mul3A_305 = vector.broadcast %mul3A_304 : f32 to vector<512x1xf32>
      %mul3A_306 = arith.mulf %max3A_291, %mul3A_305 : vector<512x1xf32>
      %mul3A_307 = arith.constant 1.200000e+00 : f32
      %mul3A_308 = vector.broadcast %mul3A_307 : f32 to vector<512x1xf32>
      %mul3A_309 = arith.mulf %max3A_295, %mul3A_308 : vector<512x1xf32>
      %mul3A_310 = arith.constant 5.000000e-01 : f32
      %mul3A_311 = vector.broadcast %mul3A_310 : f32 to vector<512x1xf32>
      %mul3A_312 = arith.mulf %mul3A_311, %mul3A_306 : vector<512x1xf32>
      %sub3A_313 = arith.subf %mul3A_299, %mul3A_312 : vector<512x1xf32>
      %mul3A_314 = arith.constant 5.000000e-01 : f32
      %mul3A_315 = vector.broadcast %mul3A_314 : f32 to vector<512x1xf32>
      %mul3A_316 = arith.mulf %mul3A_315, %mul3A_309 : vector<512x1xf32>
      %sub3A_317 = arith.subf %mul3A_303, %mul3A_316 : vector<512x1xf32>
      %div3A = arith.constant 7.000000e+00 : f32
      %div3A_318 = vector.broadcast %div3A : f32 to vector<512x1xf32>
      %div3A_319 = arith.divf %mul3A_306, %div3A_318 : vector<512x1xf32>
      %div3A_320 = arith.constant 7.000000e+00 : f32
      %div3A_321 = vector.broadcast %div3A_320 : f32 to vector<512x1xf32>
      %div3A_322 = arith.divf %mul3A_309, %div3A_321 : vector<512x1xf32>
      %iota3A = tpu.iota {dimensions = array<i32: 1>} : vector<1x256xi32>
      %jit3A = arith.constant 4 : i32
      %div3A_323 = vector.broadcast %jit3A : i32 to vector<1x256xi32>
      %div3A_324 = arith.divsi %iota3A, %div3A_323 : vector<1x256xi32>
      %sign3A = arith.constant 0 : i32
      %sign3A_325 = vector.broadcast %sign3A : i32 to vector<1x256xi32>
      %sign3A_326 = arith.cmpi sgt, %iota3A, %sign3A_325 : vector<1x256xi32>
      %sign3A_327 = arith.extui %sign3A_326 : vector<1x256xi1> to vector<1x256xi32>
      %sign3A_328 = arith.constant 0 : i32
      %sign3A_329 = vector.broadcast %sign3A_328 : i32 to vector<1x256xi32>
      %sign3A_330 = arith.cmpi slt, %iota3A, %sign3A_329 : vector<1x256xi32>
      %sign3A_331 = arith.extui %sign3A_330 : vector<1x256xi1> to vector<1x256xi32>
      %sign3A_332 = arith.subi %sign3A_327, %sign3A_331 : vector<1x256xi32>
      %sign3A_333 = arith.constant 0 : i32
      %sign3A_334 = arith.cmpi sgt, %jit3A, %sign3A_333 : i32
      %sign3A_335 = arith.extui %sign3A_334 : i1 to i32
      %sign3A_336 = arith.constant 0 : i32
      %sign3A_337 = arith.cmpi slt, %jit3A, %sign3A_336 : i32
      %sign3A_338 = arith.extui %sign3A_337 : i1 to i32
      %sign3A_339 = arith.subi %sign3A_335, %sign3A_338 : i32
      %ne3A = vector.broadcast %sign3A_339 : i32 to vector<1x256xi32>
      %ne3A_340 = arith.cmpi ne, %sign3A_332, %ne3A : vector<1x256xi32>
      %rem3A = vector.broadcast %jit3A : i32 to vector<1x256xi32>
      %rem3A_341 = arith.remsi %iota3A, %rem3A : vector<1x256xi32>
      %ne3A_342 = arith.constant 0 : i32
      %ne3A_343 = vector.broadcast %ne3A_342 : i32 to vector<1x256xi32>
      %ne3A_344 = arith.cmpi ne, %rem3A_341, %ne3A_343 : vector<1x256xi32>
      %and3A = arith.andi %ne3A_340, %ne3A_344 : vector<1x256xi1>
      %sub3A_345 = arith.constant 1 : i32
      %sub3A_346 = vector.broadcast %sub3A_345 : i32 to vector<1x256xi32>
      %sub3A_347 = arith.subi %div3A_324, %sub3A_346 : vector<1x256xi32>
      %select_n3A = arith.select %and3A, %sub3A_347, %div3A_324 : vector<1x256xi1>, vector<1x256xi32>
      %min3A = arith.constant 48 : i32
      %min3A_348 = vector.broadcast %min3A : i32 to vector<1x256xi32>
      %min3A_349 = arith.minsi %select_n3A, %min3A_348 : vector<1x256xi32>
      %jit3A_350 = arith.constant 4 : i32
      %eq3A_351 = arith.constant 0 : i32
      %eq3A_352 = arith.cmpi eq, %jit3A_350, %eq3A_351 : i32
      %jit3A_353 = arith.constant 1 : i32
      %select_n3A_354 = arith.select %eq3A_352, %jit3A_353, %jit3A_350 : i32
      %rem3A_355 = vector.broadcast %select_n3A_354 : i32 to vector<1x256xi32>
      %rem3A_356 = arith.remsi %iota3A, %rem3A_355 : vector<1x256xi32>
      %ne3A_357 = arith.constant 0 : i32
      %ne3A_358 = vector.broadcast %ne3A_357 : i32 to vector<1x256xi32>
      %ne3A_359 = arith.cmpi ne, %rem3A_356, %ne3A_358 : vector<1x256xi32>
      %lt3A = arith.constant 0 : i32
      %lt3A_360 = vector.broadcast %lt3A : i32 to vector<1x256xi32>
      %lt3A_361 = arith.cmpi slt, %rem3A_356, %lt3A_360 : vector<1x256xi32>
      %lt3A_362 = arith.constant 0 : i32
      %lt3A_363 = arith.cmpi slt, %select_n3A_354, %lt3A_362 : i32
      %ne3A_364 = vector.broadcast %lt3A_363 : i1 to vector<1x256xi1>
      %ne3A_365 = vector.broadcast %ne3A_364 : vector<1x256xi1> to vector<1x256xi1>
      %ne3A_366 = arith.xori %lt3A_361, %ne3A_365 : vector<1x256xi1>
      %and3A_367 = arith.andi %ne3A_366, %ne3A_359 : vector<1x256xi1>
      %add3A_368 = vector.broadcast %select_n3A_354 : i32 to vector<1x256xi32>
      %add3A_369 = arith.addi %rem3A_356, %add3A_368 : vector<1x256xi32>
      %select_n3A_370 = arith.select %and3A_367, %add3A_369, %rem3A_356 : vector<1x256xi1>, vector<1x256xi32>
      %jit3A_371 = arith.constant 7 : i32
      %div3A_372 = vector.broadcast %jit3A_371 : i32 to vector<1x256xi32>
      %div3A_373 = arith.divsi %min3A_349, %div3A_372 : vector<1x256xi32>
      %sign3A_374 = arith.constant 0 : i32
      %sign3A_375 = vector.broadcast %sign3A_374 : i32 to vector<1x256xi32>
      %sign3A_376 = arith.cmpi sgt, %min3A_349, %sign3A_375 : vector<1x256xi32>
      %sign3A_377 = arith.extui %sign3A_376 : vector<1x256xi1> to vector<1x256xi32>
      %sign3A_378 = arith.constant 0 : i32
      %sign3A_379 = vector.broadcast %sign3A_378 : i32 to vector<1x256xi32>
      %sign3A_380 = arith.cmpi slt, %min3A_349, %sign3A_379 : vector<1x256xi32>
      %sign3A_381 = arith.extui %sign3A_380 : vector<1x256xi1> to vector<1x256xi32>
      %sign3A_382 = arith.subi %sign3A_377, %sign3A_381 : vector<1x256xi32>
      %sign3A_383 = arith.constant 0 : i32
      %sign3A_384 = arith.cmpi sgt, %jit3A_371, %sign3A_383 : i32
      %sign3A_385 = arith.extui %sign3A_384 : i1 to i32
      %sign3A_386 = arith.constant 0 : i32
      %sign3A_387 = arith.cmpi slt, %jit3A_371, %sign3A_386 : i32
      %sign3A_388 = arith.extui %sign3A_387 : i1 to i32
      %sign3A_389 = arith.subi %sign3A_385, %sign3A_388 : i32
      %ne3A_390 = vector.broadcast %sign3A_389 : i32 to vector<1x256xi32>
      %ne3A_391 = arith.cmpi ne, %sign3A_382, %ne3A_390 : vector<1x256xi32>
      %rem3A_392 = vector.broadcast %jit3A_371 : i32 to vector<1x256xi32>
      %rem3A_393 = arith.remsi %min3A_349, %rem3A_392 : vector<1x256xi32>
      %ne3A_394 = arith.constant 0 : i32
      %ne3A_395 = vector.broadcast %ne3A_394 : i32 to vector<1x256xi32>
      %ne3A_396 = arith.cmpi ne, %rem3A_393, %ne3A_395 : vector<1x256xi32>
      %and3A_397 = arith.andi %ne3A_391, %ne3A_396 : vector<1x256xi1>
      %sub3A_398 = arith.constant 1 : i32
      %sub3A_399 = vector.broadcast %sub3A_398 : i32 to vector<1x256xi32>
      %sub3A_400 = arith.subi %div3A_373, %sub3A_399 : vector<1x256xi32>
      %select_n3A_401 = arith.select %and3A_397, %sub3A_400, %div3A_373 : vector<1x256xi1>, vector<1x256xi32>
      %convert_element_type3A_402 = arith.sitofp %select_n3A_401 : vector<1x256xi32> to vector<1x256xf32>
      %jit3A_403 = arith.constant 7 : i32
      %eq3A_404 = arith.constant 0 : i32
      %eq3A_405 = arith.cmpi eq, %jit3A_403, %eq3A_404 : i32
      %jit3A_406 = arith.constant 1 : i32
      %select_n3A_407 = arith.select %eq3A_405, %jit3A_406, %jit3A_403 : i32
      %rem3A_408 = vector.broadcast %select_n3A_407 : i32 to vector<1x256xi32>
      %rem3A_409 = arith.remsi %min3A_349, %rem3A_408 : vector<1x256xi32>
      %ne3A_410 = arith.constant 0 : i32
      %ne3A_411 = vector.broadcast %ne3A_410 : i32 to vector<1x256xi32>
      %ne3A_412 = arith.cmpi ne, %rem3A_409, %ne3A_411 : vector<1x256xi32>
      %lt3A_413 = arith.constant 0 : i32
      %lt3A_414 = vector.broadcast %lt3A_413 : i32 to vector<1x256xi32>
      %lt3A_415 = arith.cmpi slt, %rem3A_409, %lt3A_414 : vector<1x256xi32>
      %lt3A_416 = arith.constant 0 : i32
      %lt3A_417 = arith.cmpi slt, %select_n3A_407, %lt3A_416 : i32
      %ne3A_418 = vector.broadcast %lt3A_417 : i1 to vector<1x256xi1>
      %ne3A_419 = vector.broadcast %ne3A_418 : vector<1x256xi1> to vector<1x256xi1>
      %ne3A_420 = arith.xori %lt3A_415, %ne3A_419 : vector<1x256xi1>
      %and3A_421 = arith.andi %ne3A_420, %ne3A_412 : vector<1x256xi1>
      %add3A_422 = vector.broadcast %select_n3A_407 : i32 to vector<1x256xi32>
      %add3A_423 = arith.addi %rem3A_409, %add3A_422 : vector<1x256xi32>
      %select_n3A_424 = arith.select %and3A_421, %add3A_423, %rem3A_409 : vector<1x256xi1>, vector<1x256xi32>
      %convert_element_type3A_425 = arith.sitofp %select_n3A_424 : vector<1x256xi32> to vector<1x256xf32>
      %add3A_426 = arith.constant 5.000000e-01 : f32
      %add3A_427 = vector.broadcast %add3A_426 : f32 to vector<1x256xf32>
      %add3A_428 = arith.addf %convert_element_type3A_402, %add3A_427 : vector<1x256xf32>
      %mul3A_429 = vector.broadcast %add3A_428 : vector<1x256xf32> to vector<512x256xf32>
      %mul3A_430 = vector.broadcast %div3A_322 : vector<512x1xf32> to vector<512x256xf32>
      %mul3A_431 = arith.mulf %mul3A_429, %mul3A_430 : vector<512x256xf32>
      %add3A_432 = vector.broadcast %sub3A_317 : vector<512x1xf32> to vector<512x256xf32>
      %add3A_433 = arith.addf %add3A_432, %mul3A_431 : vector<512x256xf32>
      %add3A_434 = arith.constant 5.000000e-01 : f32
      %add3A_435 = vector.broadcast %add3A_434 : f32 to vector<1x256xf32>
      %add3A_436 = arith.addf %convert_element_type3A_425, %add3A_435 : vector<1x256xf32>
      %mul3A_437 = vector.broadcast %add3A_436 : vector<1x256xf32> to vector<512x256xf32>
      %mul3A_438 = vector.broadcast %div3A_319 : vector<512x1xf32> to vector<512x256xf32>
      %mul3A_439 = arith.mulf %mul3A_437, %mul3A_438 : vector<512x256xf32>
      %add3A_440 = vector.broadcast %sub3A_313 : vector<512x1xf32> to vector<512x256xf32>
      %add3A_441 = arith.addf %add3A_440, %mul3A_439 : vector<512x256xf32>
      %mul3A_442 = arith.constant 0.699999988 : f32
      %mul3A_443 = vector.broadcast %mul3A_442 : f32 to vector<512x1xf32>
      %mul3A_444 = arith.mulf %mul3A_443, %div3A_322 : vector<512x1xf32>
      %mul3A_445 = arith.constant 0.699999988 : f32
      %mul3A_446 = vector.broadcast %mul3A_445 : f32 to vector<512x1xf32>
      %mul3A_447 = arith.mulf %mul3A_446, %div3A_319 : vector<512x1xf32>
      %sub3A_448 = vector.broadcast %mul3A_444 : vector<512x1xf32> to vector<512x256xf32>
      %sub3A_449 = arith.subf %add3A_433, %sub3A_448 : vector<512x256xf32>
      %floor3A = math.floor %sub3A_449 : vector<512x256xf32>
      %jit3A_450 = arith.constant 0.000000e+00 : f32
      %jit3A_451 = arith.constant 5.000000e+01 : f32
      %max3A_452 = vector.broadcast %jit3A_450 : f32 to vector<512x256xf32>
      %max3A_453 = arith.maximumf %max3A_452, %floor3A : vector<512x256xf32>
      %min3A_454 = vector.broadcast %jit3A_451 : f32 to vector<512x256xf32>
      %min3A_455 = arith.minimumf %min3A_454, %max3A_453 : vector<512x256xf32>
      %add3A_456 = vector.broadcast %mul3A_444 : vector<512x1xf32> to vector<512x256xf32>
      %add3A_457 = arith.addf %add3A_433, %add3A_456 : vector<512x256xf32>
      %ceil3A = math.ceil %add3A_457 : vector<512x256xf32>
      %jit3A_458 = arith.constant 0.000000e+00 : f32
      %jit3A_459 = arith.constant 5.000000e+01 : f32
      %max3A_460 = vector.broadcast %jit3A_458 : f32 to vector<512x256xf32>
      %max3A_461 = arith.maximumf %max3A_460, %ceil3A : vector<512x256xf32>
      %min3A_462 = vector.broadcast %jit3A_459 : f32 to vector<512x256xf32>
      %min3A_463 = arith.minimumf %min3A_462, %max3A_461 : vector<512x256xf32>
      %sub3A_464 = vector.broadcast %mul3A_447 : vector<512x1xf32> to vector<512x256xf32>
      %sub3A_465 = arith.subf %add3A_441, %sub3A_464 : vector<512x256xf32>
      %floor3A_466 = math.floor %sub3A_465 : vector<512x256xf32>
      %jit3A_467 = arith.constant 0.000000e+00 : f32
      %jit3A_468 = arith.constant 5.000000e+01 : f32
      %max3A_469 = vector.broadcast %jit3A_467 : f32 to vector<512x256xf32>
      %max3A_470 = arith.maximumf %max3A_469, %floor3A_466 : vector<512x256xf32>
      %min3A_471 = vector.broadcast %jit3A_468 : f32 to vector<512x256xf32>
      %min3A_472 = arith.minimumf %min3A_471, %max3A_470 : vector<512x256xf32>
      %add3A_473 = vector.broadcast %mul3A_447 : vector<512x1xf32> to vector<512x256xf32>
      %add3A_474 = arith.addf %add3A_441, %add3A_473 : vector<512x256xf32>
      %ceil3A_475 = math.ceil %add3A_474 : vector<512x256xf32>
      %jit3A_476 = arith.constant 0.000000e+00 : f32
      %jit3A_477 = arith.constant 5.000000e+01 : f32
      %max3A_478 = vector.broadcast %jit3A_476 : f32 to vector<512x256xf32>
      %max3A_479 = arith.maximumf %max3A_478, %ceil3A_475 : vector<512x256xf32>
      %min3A_480 = vector.broadcast %jit3A_477 : f32 to vector<512x256xf32>
      %min3A_481 = arith.minimumf %min3A_480, %max3A_479 : vector<512x256xf32>
      %jit3A_482 = arith.constant 2 : i32
      %eq3A_483 = arith.constant 0 : i32
      %eq3A_484 = arith.cmpi eq, %jit3A_482, %eq3A_483 : i32
      %jit3A_485 = arith.constant 1 : i32
      %select_n3A_486 = arith.select %eq3A_484, %jit3A_485, %jit3A_482 : i32
      %rem3A_487 = vector.broadcast %select_n3A_486 : i32 to vector<1x256xi32>
      %rem3A_488 = arith.remsi %select_n3A_370, %rem3A_487 : vector<1x256xi32>
      %ne3A_489 = arith.constant 0 : i32
      %ne3A_490 = vector.broadcast %ne3A_489 : i32 to vector<1x256xi32>
      %ne3A_491 = arith.cmpi ne, %rem3A_488, %ne3A_490 : vector<1x256xi32>
      %lt3A_492 = arith.constant 0 : i32
      %lt3A_493 = vector.broadcast %lt3A_492 : i32 to vector<1x256xi32>
      %lt3A_494 = arith.cmpi slt, %rem3A_488, %lt3A_493 : vector<1x256xi32>
      %lt3A_495 = arith.constant 0 : i32
      %lt3A_496 = arith.cmpi slt, %select_n3A_486, %lt3A_495 : i32
      %ne3A_497 = vector.broadcast %lt3A_496 : i1 to vector<1x256xi1>
      %ne3A_498 = vector.broadcast %ne3A_497 : vector<1x256xi1> to vector<1x256xi1>
      %ne3A_499 = arith.xori %lt3A_494, %ne3A_498 : vector<1x256xi1>
      %and3A_500 = arith.andi %ne3A_499, %ne3A_491 : vector<1x256xi1>
      %add3A_501 = vector.broadcast %select_n3A_486 : i32 to vector<1x256xi32>
      %add3A_502 = arith.addi %rem3A_488, %add3A_501 : vector<1x256xi32>
      %select_n3A_503 = arith.select %and3A_500, %add3A_502, %rem3A_488 : vector<1x256xi1>, vector<1x256xi32>
      %eq3A_504 = arith.constant 0 : i32
      %eq3A_505 = vector.broadcast %eq3A_504 : i32 to vector<1x256xi32>
      %eq3A_506 = arith.cmpi eq, %select_n3A_503, %eq3A_505 : vector<1x256xi32>
      %broadcast_in_dim3A = vector.shape_cast %eq3A_506 : vector<1x256xi1> to vector<1x256xi1>
      %broadcast_in_dim3A_507 = vector.broadcast %broadcast_in_dim3A : vector<1x256xi1> to vector<512x256xi1>
      %select_n3A_508 = arith.select %broadcast_in_dim3A_507, %min3A_463, %min3A_455 : vector<512x256xi1>, vector<512x256xf32>
      %convert_element_type3A_509 = arith.fptosi %select_n3A_508 : vector<512x256xf32> to vector<512x256xi32>
      %lt3A_510 = arith.constant 2 : i32
      %lt3A_511 = vector.broadcast %lt3A_510 : i32 to vector<1x256xi32>
      %lt3A_512 = arith.cmpi slt, %select_n3A_370, %lt3A_511 : vector<1x256xi32>
      %broadcast_in_dim3A_513 = vector.shape_cast %lt3A_512 : vector<1x256xi1> to vector<1x256xi1>
      %broadcast_in_dim3A_514 = vector.broadcast %broadcast_in_dim3A_513 : vector<1x256xi1> to vector<512x256xi1>
      %select_n3A_515 = arith.select %broadcast_in_dim3A_514, %min3A_481, %min3A_472 : vector<512x256xi1>, vector<512x256xf32>
      %convert_element_type3A_516 = arith.fptosi %select_n3A_515 : vector<512x256xf32> to vector<512x256xi32>
      %mul3A_517 = arith.constant 49 : i32
      %mul3A_518 = vector.broadcast %mul3A_517 : i32 to vector<512x1xi32>
      %mul3A_519 = arith.muli %convert_element_type3A_277, %mul3A_518 : vector<512x1xi32>
      %add3A_520 = vector.broadcast %mul3A_519 : vector<512x1xi32> to vector<512x256xi32>
      %add3A_521 = vector.broadcast %min3A_349 : vector<1x256xi32> to vector<512x256xi32>
      %add3A_522 = arith.addi %add3A_520, %add3A_521 : vector<512x256xi32>
      %mul3A_523 = arith.constant 2601 : i32
      %mul3A_524 = vector.broadcast %mul3A_523 : i32 to vector<512x256xi32>
      %mul3A_525 = arith.muli %add3A_522, %mul3A_524 : vector<512x256xi32>
      %lt3A_526 = arith.constant 196 : i32
      %lt3A_527 = vector.broadcast %lt3A_526 : i32 to vector<1x256xi32>
      %lt3A_528 = arith.cmpi slt, %iota3A, %lt3A_527 : vector<1x256xi32>
      %mul3A_529 = arith.constant 51 : i32
      %mul3A_530 = vector.broadcast %mul3A_529 : i32 to vector<512x256xi32>
      %mul3A_531 = arith.muli %convert_element_type3A_509, %mul3A_530 : vector<512x256xi32>
      %add3A_532 = arith.addi %mul3A_525, %mul3A_531 : vector<512x256xi32>
      %add3A_533 = arith.addi %add3A_532, %convert_element_type3A_516 : vector<512x256xi32>
      %jit3A_534 = arith.constant 0 : i32
      %broadcast_in_dim3A_535 = vector.shape_cast %lt3A_528 : vector<1x256xi1> to vector<1x256xi1>
      %broadcast_in_dim3A_536 = vector.broadcast %broadcast_in_dim3A_535 : vector<1x256xi1> to vector<512x256xi1>
      %broadcast_in_dim3A_537 = vector.broadcast %jit3A_534 : i32 to vector<512x256xi32>
      %select_n3A_538 = arith.select %broadcast_in_dim3A_536, %add3A_533, %broadcast_in_dim3A_537 : vector<512x256xi1>, vector<512x256xi32>
      %swap3A_539 = arith.constant 0 : index
      %swap3A_540 = arith.constant 0 : index
      %swap3A_541 = vector.load %arg7[%swap3A_539, %swap3A_540] : memref<512x256xi32, #tpu.memory_space<vmem>>, vector<512x256xi32>
      tpu.vector_store %arg7[%swap3A_539, %swap3A_540], %select_n3A_538 {strides = array<i32>} : memref<512x256xi32, #tpu.memory_space<vmem>>, vector<512x256xi32>,
      %iota3A_542 = tpu.iota {dimensions = array<i32: 1>} : vector<1x896xi32>
      %jit3A_543 = arith.constant 16 : i32
      %div3A_544 = vector.broadcast %jit3A_543 : i32 to vector<1x896xi32>
      %div3A_545 = arith.divsi %iota3A_542, %div3A_544 : vector<1x896xi32>
      %sign3A_546 = arith.constant 0 : i32
      %sign3A_547 = vector.broadcast %sign3A_546 : i32 to vector<1x896xi32>
      %sign3A_548 = arith.cmpi sgt, %iota3A_542, %sign3A_547 : vector<1x896xi32>
      %sign3A_549 = arith.extui %sign3A_548 : vector<1x896xi1> to vector<1x896xi32>
      %sign3A_550 = arith.constant 0 : i32
      %sign3A_551 = vector.broadcast %sign3A_550 : i32 to vector<1x896xi32>
      %sign3A_552 = arith.cmpi slt, %iota3A_542, %sign3A_551 : vector<1x896xi32>
      %sign3A_553 = arith.extui %sign3A_552 : vector<1x896xi1> to vector<1x896xi32>
      %sign3A_554 = arith.subi %sign3A_549, %sign3A_553 : vector<1x896xi32>
      %sign3A_555 = arith.constant 0 : i32
      %sign3A_556 = arith.cmpi sgt, %jit3A_543, %sign3A_555 : i32
      %sign3A_557 = arith.extui %sign3A_556 : i1 to i32
      %sign3A_558 = arith.constant 0 : i32
      %sign3A_559 = arith.cmpi slt, %jit3A_543, %sign3A_558 : i32
      %sign3A_560 = arith.extui %sign3A_559 : i1 to i32
      %sign3A_561 = arith.subi %sign3A_557, %sign3A_560 : i32
      %ne3A_562 = vector.broadcast %sign3A_561 : i32 to vector<1x896xi32>
      %ne3A_563 = arith.cmpi ne, %sign3A_554, %ne3A_562 : vector<1x896xi32>
      %rem3A_564 = vector.broadcast %jit3A_543 : i32 to vector<1x896xi32>
      %rem3A_565 = arith.remsi %iota3A_542, %rem3A_564 : vector<1x896xi32>
      %ne3A_566 = arith.constant 0 : i32
      %ne3A_567 = vector.broadcast %ne3A_566 : i32 to vector<1x896xi32>
      %ne3A_568 = arith.cmpi ne, %rem3A_565, %ne3A_567 : vector<1x896xi32>
      %and3A_569 = arith.andi %ne3A_563, %ne3A_568 : vector<1x896xi1>
      %sub3A_570 = arith.constant 1 : i32
      %sub3A_571 = vector.broadcast %sub3A_570 : i32 to vector<1x896xi32>
      %sub3A_572 = arith.subi %div3A_545, %sub3A_571 : vector<1x896xi32>
      %select_n3A_573 = arith.select %and3A_569, %sub3A_572, %div3A_545 : vector<1x896xi1>, vector<1x896xi32>
      %min3A_574 = arith.constant 48 : i32
      %min3A_575 = vector.broadcast %min3A_574 : i32 to vector<1x896xi32>
      %min3A_576 = arith.minsi %select_n3A_573, %min3A_575 : vector<1x896xi32>
      %jit3A_577 = arith.constant 7 : i32
      %div3A_578 = vector.broadcast %jit3A_577 : i32 to vector<1x896xi32>
      %div3A_579 = arith.divsi %min3A_576, %div3A_578 : vector<1x896xi32>
      %sign3A_580 = arith.constant 0 : i32
      %sign3A_581 = vector.broadcast %sign3A_580 : i32 to vector<1x896xi32>
      %sign3A_582 = arith.cmpi sgt, %min3A_576, %sign3A_581 : vector<1x896xi32>
      %sign3A_583 = arith.extui %sign3A_582 : vector<1x896xi1> to vector<1x896xi32>
      %sign3A_584 = arith.constant 0 : i32
      %sign3A_585 = vector.broadcast %sign3A_584 : i32 to vector<1x896xi32>
      %sign3A_586 = arith.cmpi slt, %min3A_576, %sign3A_585 : vector<1x896xi32>
      %sign3A_587 = arith.extui %sign3A_586 : vector<1x896xi1> to vector<1x896xi32>
      %sign3A_588 = arith.subi %sign3A_583, %sign3A_587 : vector<1x896xi32>
      %sign3A_589 = arith.constant 0 : i32
      %sign3A_590 = arith.cmpi sgt, %jit3A_577, %sign3A_589 : i32
      %sign3A_591 = arith.extui %sign3A_590 : i1 to i32
      %sign3A_592 = arith.constant 0 : i32
      %sign3A_593 = arith.cmpi slt, %jit3A_577, %sign3A_592 : i32
      %sign3A_594 = arith.extui %sign3A_593 : i1 to i32
      %sign3A_595 = arith.subi %sign3A_591, %sign3A_594 : i32
      %ne3A_596 = vector.broadcast %sign3A_595 : i32 to vector<1x896xi32>
      %ne3A_597 = arith.cmpi ne, %sign3A_588, %ne3A_596 : vector<1x896xi32>
      %rem3A_598 = vector.broadcast %jit3A_577 : i32 to vector<1x896xi32>
      %rem3A_599 = arith.remsi %min3A_576, %rem3A_598 : vector<1x896xi32>
      %ne3A_600 = arith.constant 0 : i32
      %ne3A_601 = vector.broadcast %ne3A_600 : i32 to vector<1x896xi32>
      %ne3A_602 = arith.cmpi ne, %rem3A_599, %ne3A_601 : vector<1x896xi32>
      %and3A_603 = arith.andi %ne3A_597, %ne3A_602 : vector<1x896xi1>
      %sub3A_604 = arith.constant 1 : i32
      %sub3A_605 = vector.broadcast %sub3A_604 : i32 to vector<1x896xi32>
      %sub3A_606 = arith.subi %div3A_579, %sub3A_605 : vector<1x896xi32>
      %select_n3A_607 = arith.select %and3A_603, %sub3A_606, %div3A_579 : vector<1x896xi1>, vector<1x896xi32>
      %convert_element_type3A_608 = arith.sitofp %select_n3A_607 : vector<1x896xi32> to vector<1x896xf32>
      %jit3A_609 = arith.constant 7 : i32
      %eq3A_610 = arith.constant 0 : i32
      %eq3A_611 = arith.cmpi eq, %jit3A_609, %eq3A_610 : i32
      %jit3A_612 = arith.constant 1 : i32
      %select_n3A_613 = arith.select %eq3A_611, %jit3A_612, %jit3A_609 : i32
      %rem3A_614 = vector.broadcast %select_n3A_613 : i32 to vector<1x896xi32>
      %rem3A_615 = arith.remsi %min3A_576, %rem3A_614 : vector<1x896xi32>
      %ne3A_616 = arith.constant 0 : i32
      %ne3A_617 = vector.broadcast %ne3A_616 : i32 to vector<1x896xi32>
      %ne3A_618 = arith.cmpi ne, %rem3A_615, %ne3A_617 : vector<1x896xi32>
      %lt3A_619 = arith.constant 0 : i32
      %lt3A_620 = vector.broadcast %lt3A_619 : i32 to vector<1x896xi32>
      %lt3A_621 = arith.cmpi slt, %rem3A_615, %lt3A_620 : vector<1x896xi32>
      %lt3A_622 = arith.constant 0 : i32
      %lt3A_623 = arith.cmpi slt, %select_n3A_613, %lt3A_622 : i32
      %ne3A_624 = vector.broadcast %lt3A_623 : i1 to vector<1x896xi1>
      %ne3A_625 = vector.broadcast %ne3A_624 : vector<1x896xi1> to vector<1x896xi1>
      %ne3A_626 = arith.xori %lt3A_621, %ne3A_625 : vector<1x896xi1>
      %and3A_627 = arith.andi %ne3A_626, %ne3A_618 : vector<1x896xi1>
      %add3A_628 = vector.broadcast %select_n3A_613 : i32 to vector<1x896xi32>
      %add3A_629 = arith.addi %rem3A_615, %add3A_628 : vector<1x896xi32>
      %select_n3A_630 = arith.select %and3A_627, %add3A_629, %rem3A_615 : vector<1x896xi1>, vector<1x896xi32>
      %convert_element_type3A_631 = arith.sitofp %select_n3A_630 : vector<1x896xi32> to vector<1x896xf32>
      %add3A_632 = arith.constant 5.000000e-01 : f32
      %add3A_633 = vector.broadcast %add3A_632 : f32 to vector<1x896xf32>
      %add3A_634 = arith.addf %convert_element_type3A_608, %add3A_633 : vector<1x896xf32>
      %mul3A_635 = vector.broadcast %add3A_634 : vector<1x896xf32> to vector<512x896xf32>
      %mul3A_636 = vector.broadcast %div3A_322 : vector<512x1xf32> to vector<512x896xf32>
      %mul3A_637 = arith.mulf %mul3A_635, %mul3A_636 : vector<512x896xf32>
      %add3A_638 = vector.broadcast %sub3A_317 : vector<512x1xf32> to vector<512x896xf32>
      %add3A_639 = arith.addf %add3A_638, %mul3A_637 : vector<512x896xf32>
      %add3A_640 = arith.constant 5.000000e-01 : f32
      %add3A_641 = vector.broadcast %add3A_640 : f32 to vector<1x896xf32>
      %add3A_642 = arith.addf %convert_element_type3A_631, %add3A_641 : vector<1x896xf32>
      %mul3A_643 = vector.broadcast %add3A_642 : vector<1x896xf32> to vector<512x896xf32>
      %mul3A_644 = vector.broadcast %div3A_319 : vector<512x1xf32> to vector<512x896xf32>
      %mul3A_645 = arith.mulf %mul3A_643, %mul3A_644 : vector<512x896xf32>
      %add3A_646 = vector.broadcast %sub3A_313 : vector<512x1xf32> to vector<512x896xf32>
      %add3A_647 = arith.addf %add3A_646, %mul3A_645 : vector<512x896xf32>
      %mul3A_648 = arith.constant 0.699999988 : f32
      %mul3A_649 = vector.broadcast %mul3A_648 : f32 to vector<512x1xf32>
      %mul3A_650 = arith.mulf %mul3A_649, %div3A_322 : vector<512x1xf32>
      %mul3A_651 = arith.constant 0.699999988 : f32
      %mul3A_652 = vector.broadcast %mul3A_651 : f32 to vector<512x1xf32>
      %mul3A_653 = arith.mulf %mul3A_652, %div3A_319 : vector<512x1xf32>
      %sub3A_654 = vector.broadcast %mul3A_650 : vector<512x1xf32> to vector<512x896xf32>
      %sub3A_655 = arith.subf %add3A_639, %sub3A_654 : vector<512x896xf32>
      %floor3A_656 = math.floor %sub3A_655 : vector<512x896xf32>
      %jit3A_657 = arith.constant 0.000000e+00 : f32
      %jit3A_658 = arith.constant 5.000000e+01 : f32
      %max3A_659 = vector.broadcast %jit3A_657 : f32 to vector<512x896xf32>
      %max3A_660 = arith.maximumf %max3A_659, %floor3A_656 : vector<512x896xf32>
      %min3A_661 = vector.broadcast %jit3A_658 : f32 to vector<512x896xf32>
      %min3A_662 = arith.minimumf %min3A_661, %max3A_660 : vector<512x896xf32>
      %add3A_663 = vector.broadcast %mul3A_650 : vector<512x1xf32> to vector<512x896xf32>
      %add3A_664 = arith.addf %add3A_639, %add3A_663 : vector<512x896xf32>
      %ceil3A_665 = math.ceil %add3A_664 : vector<512x896xf32>
      %jit3A_666 = arith.constant 0.000000e+00 : f32
      %jit3A_667 = arith.constant 5.000000e+01 : f32
      %max3A_668 = vector.broadcast %jit3A_666 : f32 to vector<512x896xf32>
      %max3A_669 = arith.maximumf %max3A_668, %ceil3A_665 : vector<512x896xf32>
      %min3A_670 = vector.broadcast %jit3A_667 : f32 to vector<512x896xf32>
      %min3A_671 = arith.minimumf %min3A_670, %max3A_669 : vector<512x896xf32>
      %sub3A_672 = vector.broadcast %mul3A_653 : vector<512x1xf32> to vector<512x896xf32>
      %sub3A_673 = arith.subf %add3A_647, %sub3A_672 : vector<512x896xf32>
      %floor3A_674 = math.floor %sub3A_673 : vector<512x896xf32>
      %jit3A_675 = arith.constant 0.000000e+00 : f32
      %jit3A_676 = arith.constant 5.000000e+01 : f32
      %max3A_677 = vector.broadcast %jit3A_675 : f32 to vector<512x896xf32>
      %max3A_678 = arith.maximumf %max3A_677, %floor3A_674 : vector<512x896xf32>
      %min3A_679 = vector.broadcast %jit3A_676 : f32 to vector<512x896xf32>
      %min3A_680 = arith.minimumf %min3A_679, %max3A_678 : vector<512x896xf32>
      %add3A_681 = vector.broadcast %mul3A_653 : vector<512x1xf32> to vector<512x896xf32>
      %add3A_682 = arith.addf %add3A_647, %add3A_681 : vector<512x896xf32>
      %ceil3A_683 = math.ceil %add3A_682 : vector<512x896xf32>
      %jit3A_684 = arith.constant 0.000000e+00 : f32
      %jit3A_685 = arith.constant 5.000000e+01 : f32
      %max3A_686 = vector.broadcast %jit3A_684 : f32 to vector<512x896xf32>
      %max3A_687 = arith.maximumf %max3A_686, %ceil3A_683 : vector<512x896xf32>
      %min3A_688 = vector.broadcast %jit3A_685 : f32 to vector<512x896xf32>
      %min3A_689 = arith.minimumf %min3A_688, %max3A_687 : vector<512x896xf32>
      %sub3A_690 = arith.subf %min3A_671, %min3A_662 : vector<512x896xf32>
      %sub3A_691 = arith.subf %min3A_689, %min3A_680 : vector<512x896xf32>
      %mul3A_692 = arith.mulf %sub3A_690, %sub3A_691 : vector<512x896xf32>
      %gt3A = arith.constant 0.000000e+00 : f32
      %gt3A_693 = vector.broadcast %gt3A : f32 to vector<512x896xf32>
      %gt3A_694 = arith.cmpf ogt, %mul3A_692, %gt3A_693 : vector<512x896xf32>
      %max3A_695 = arith.constant 1.000000e+00 : f32
      %max3A_696 = vector.broadcast %max3A_695 : f32 to vector<512x896xf32>
      %max3A_697 = arith.maximumf %mul3A_692, %max3A_696 : vector<512x896xf32>
      %div3A_698 = arith.constant 1.000000e+00 : f32
      %div3A_699 = vector.broadcast %div3A_698 : f32 to vector<512x896xf32>
      %div3A_700 = arith.divf %div3A_699, %max3A_697 : vector<512x896xf32>
      %jit3A_701 = arith.constant 0.000000e+00 : f32
      %broadcast_in_dim3A_702 = vector.broadcast %jit3A_701 : f32 to vector<512x896xf32>
      %select_n3A_703 = arith.select %gt3A_694, %div3A_700, %broadcast_in_dim3A_702 : vector<512x896xi1>, vector<512x896xf32>
      %swap3A_704 = arith.constant 0 : index
      %swap3A_705 = arith.constant 0 : index
      %swap3A_706 = vector.load %arg8[%swap3A_704, %swap3A_705] : memref<512x896xf32, #tpu.memory_space<vmem>>, vector<512x896xf32>
      tpu.vector_store %arg8[%swap3A_704, %swap3A_705], %select_n3A_703 {strides = array<i32>} : memref<512x896xf32, #tpu.memory_space<vmem>>, vector<512x896xf32>,
    } else {
    }
    return
  }
  func.func @transform_0(%arg0: i32) -> (i32, i32, i32, i32) {
    %jit3A = arith.constant 7 : i32
    %div3A = arith.divsi %arg0, %jit3A : i32
    %sign3A = arith.constant 0 : i32
    %sign3A_0 = arith.cmpi sgt, %arg0, %sign3A : i32
    %sign3A_1 = arith.extui %sign3A_0 : i1 to i32
    %sign3A_2 = arith.constant 0 : i32
    %sign3A_3 = arith.cmpi slt, %arg0, %sign3A_2 : i32
    %sign3A_4 = arith.extui %sign3A_3 : i1 to i32
    %sign3A_5 = arith.subi %sign3A_1, %sign3A_4 : i32
    %sign3A_6 = arith.constant 0 : i32
    %sign3A_7 = arith.cmpi sgt, %jit3A, %sign3A_6 : i32
    %sign3A_8 = arith.extui %sign3A_7 : i1 to i32
    %sign3A_9 = arith.constant 0 : i32
    %sign3A_10 = arith.cmpi slt, %jit3A, %sign3A_9 : i32
    %sign3A_11 = arith.extui %sign3A_10 : i1 to i32
    %sign3A_12 = arith.subi %sign3A_8, %sign3A_11 : i32
    %ne3A = arith.cmpi ne, %sign3A_5, %sign3A_12 : i32
    %rem3A = arith.remsi %arg0, %jit3A : i32
    %ne3A_13 = arith.constant 0 : i32
    %ne3A_14 = arith.cmpi ne, %rem3A, %ne3A_13 : i32
    %and3A = arith.andi %ne3A, %ne3A_14 : i1
    %sub3A = arith.constant 1 : i32
    %sub3A_15 = arith.subi %div3A, %sub3A : i32
    %select_n3A = arith.select %and3A, %sub3A_15, %div3A : i32
    %jit3A_16 = arith.constant 7 : i32
    %eq3A = arith.constant 0 : i32
    %eq3A_17 = arith.cmpi eq, %jit3A_16, %eq3A : i32
    %jit3A_18 = arith.constant 1 : i32
    %select_n3A_19 = arith.select %eq3A_17, %jit3A_18, %jit3A_16 : i32
    %rem3A_20 = arith.remsi %arg0, %select_n3A_19 : i32
    %ne3A_21 = arith.constant 0 : i32
    %ne3A_22 = arith.cmpi ne, %rem3A_20, %ne3A_21 : i32
    %lt3A = arith.constant 0 : i32
    %lt3A_23 = arith.cmpi slt, %rem3A_20, %lt3A : i32
    %lt3A_24 = arith.constant 0 : i32
    %lt3A_25 = arith.cmpi slt, %select_n3A_19, %lt3A_24 : i32
    %ne3A_26 = arith.xori %lt3A_23, %lt3A_25 : i1
    %and3A_27 = arith.andi %ne3A_26, %ne3A_22 : i1
    %add3A = arith.addi %rem3A_20, %select_n3A_19 : i32
    %select_n3A_28 = arith.select %and3A_27, %add3A, %rem3A_20 : i32
    %c0_i32 = arith.constant 0 : i32
    %c0_i32_29 = arith.constant 0 : i32
    %c0_i32_30 = arith.constant 0 : i32
    return %select_n3A, %select_n3A_28, %c0_i32, %c0_i32_29 : i32, i32, i32, i32
  }
  func.func @transform_1(%arg0: i32) -> (i32, i32) {
    %c0_i32 = arith.constant 0 : i32
    %c0_i32_0 = arith.constant 0 : i32
    %c0_i32_1 = arith.constant 0 : i32
    return %c0_i32, %c0_i32_0 : i32, i32
  }
  func.func @transform_2(%arg0: i32) -> (i32, i32) {
    %c0_i32 = arith.constant 0 : i32
    %c0_i32_0 = arith.constant 0 : i32
    %c0_i32_1 = arith.constant 0 : i32
    return %c0_i32, %c0_i32_0 : i32, i32
  }
  func.func @transform_3(%arg0: i32) -> (i32, i32) {
    %c0_i32 = arith.constant 0 : i32
    %c0_i32_0 = arith.constant 0 : i32
    %c0_i32_1 = arith.constant 0 : i32
    return %c0_i32, %c0_i32_0 : i32, i32
  }
  func.func @transform_4(%arg0: i32) -> (i32, i32) {
    %c0_i32 = arith.constant 0 : i32
    %c0_i32_0 = arith.constant 0 : i32
    %c0_i32_1 = arith.constant 0 : i32
    return %c0_i32, %c0_i32_0 : i32, i32
  }
  func.func @transform_5(%arg0: i32) -> (i32, i32, i32) {
    %c0_i32 = arith.constant 0 : i32
    %c0_i32_0 = arith.constant 0 : i32
    %c0_i32_1 = arith.constant 0 : i32
    return %arg0, %c0_i32, %c0_i32_0 : i32, i32, i32
  }
  func.func @transform_6(%arg0: i32) -> (i32, i32) {
    %c0_i32 = arith.constant 0 : i32
    %c0_i32_0 = arith.constant 0 : i32
    %c0_i32_1 = arith.constant 0 : i32
    return %c0_i32, %c0_i32_0 : i32, i32
  }
  func.func @transform_7(%arg0: i32) -> (i32, i32) {
    %c0_i32 = arith.constant 0 : i32
    %c0_i32_0 = arith.constant 0 : i32
    %c0_i32_1 = arith.constant 0 : i32
    return %c0_i32, %c0_i32_0 : i32, i32
  }
}

</mosaic_0001>

<sc_bundles>
// kernel: kernel.4.cloned.1.call-start
scs
__scs_entry_jumppad:
0x0: {  	(pc) =	sbr.rel $0x88, $3  }
0x1: {  	(tag) =	ssettag $0x0;
	lr =	simm.s32 $0x1  }
0x2: {  	[smem:$0x3F9E] =	sst lr;
	_ =	strace $0xD0000000  }
0x3: {  	_ = 	snop  }
0x4: {  	_ = 	snop  }
0x5: {  	_ = 	snop  }
0x6: {  	_ = 	snop  }
0x7: {  	_ = 	snop  }
__scs_overlays_trampoline_lowered:
0x8: {  	[smem:$0x3FAD] =	sst s0  }
0x9: {  	[smem:$0x3FAE] =	sst s1  }
0xa: {  	[smem:$0x3FAF] =	sst s2  }
0xb: {  	[smem:$0x3FB0] =	sst s3  }
0xc: {  	[smem:$0x3FB1] =	sst s4  }
0xd: {  	[smem:$0x3FB2] =	sst s5  }
0xe: {  	[smem:$0x3FB3] =	sst s6  }
0xf: {  	[smem:$0x3FB4] =	sst s7  }
0x10: {  	[smem:$0x3FB5] =	sst s8  }
0x11: {  	[smem:$0x3FB6] =	sst s9;
	s0 =	simm.s32 @!p0 $0x0  }
0x12: {  	s1 =	sld [smem:$0x3F9C];
	s0 =	simm.s32 @p0 $0x1  }
0x13: {  	[smem:$0x3FB7] =	sst s0;
	s0 =	simm.s32 @!p1 $0x0  }
0x14: {  	s2 =	sld [smem:$0x3F9B];
	s0 =	simm.s32 @p1 $0x1  }
0x15: {  	[smem:$0x3FB8] =	sst s0;
	s0 =	simm.s32 @!p2 $0x0  }
0x16: {  	s3 =	sld [smem:$0x3FDB];
	s0 =	simm.s32 @p2 $0x1  }
0x17: {  	s4 =	simm.s32 $0x1BF5;
	[smem:$0x3FBA] =	sst s0  }
0x18: {  	s0 =	sld [smem:$0x3F9D];
	_ =	swait.ge [sflag:s4], $0x0  }
0x19: {  	s7 =	sld [smem:$0x3F9E]  }
0x1a: {  	s8 =	sadd.s32 $0xFFFFE003, lr  }
0x1b: {  	s9 =	sadd.s32 $0xFFFFFEF7, lr;
	s5 =	simm.s32 $0xFFFFFFFF;
	p2 =	slt.u32 s8, $0xFFFFF086  }
0x1c: {  	p1 =	slt.u32 s9, $0xF7A;
	s5 =	simm.s32 @!p2 $0x0  }
0x1d: {  	s5 =	simm.s32 @p1 $0x1;
	p0 =	seq.s32 s7, s2  }
0x1e: {  	s7 =	smul.u32 @!p0 $0xF7A, s2;
	p2 =	seq.s32 @!p0 s5, $0x0  }
0x1f: {  	s9 =	smul.u32 $0xF7A, s1;
	s8 =	simm.s32 @!p0 $0x1BF5;
	p2 =	por !p2, p0  }
0x20: {  	[sflag:s8] =	ssyncset.s32 @!p0 $0xFFFFF086;
	s6 =	sadd.s32 @!p0 s3, s7;
	s7 =	simm.s32 @!p0 $0x108  }
0x21: {  	s3 =	sadd.s32 s3, s9;
	s6 =	sadd.s32 @!p0 $0x88, s6;
	s7 =	simm.s32 @p2 $0x1082  }
0x22: {  	[simem:s7], [sflag:s8] =	dma.local @!p0 [hbm:s6], $0xF7A  }
0x23: {  	s9 =	sor.u32 $0xD0000000, s2;
	s6 =	simm.s32 $0x108;
	_ =	swait.ge @!p0 [sflag:s8], $0x0  }
0x24: {  	s3 =	sadd.s32 $0x88, s3;
	s6 =	simm.s32 @!p1 $0x1082;
	[sflag:s4] =	ssyncset.s32 $0xFFFFF086  }
0x25: {  	[simem:s6], [sflag:s4] =	dma.local [hbm:s3], $0xF7A  }
0x26: {  	[smem:$0x3F9E] =	sst s1;
	(tag) =	ssettag s2;
	_ =	strace s9  }
0x27: {  	s1 =	sld [smem:$0x3FAE]  }
0x28: {  	s2 =	sld [smem:$0x3FAF]  }
0x29: {  	s4 =	sld [smem:$0x3FB1]  }
0x2a: {  	p0 =	seq.s32 s5, $0x0;
	s5 =	sld [smem:$0x3FB2]  }
0x2b: {  	s6 =	sld [smem:$0x3FB3]  }
0x2c: {  	s7 =	sld [smem:$0x3FB4]  }
0x2d: {  	s3 =	simm.s32 $0x108;
	s8 =	sld [smem:$0x3FB5]  }
0x2e: {  	s3 =	simm.s32 @!p0 $0x1082;
	s9 =	sld [smem:$0x3FB6]  }
0x2f: {  	lr =	sadd.s32 s0, s3;
	s0 =	sld [smem:$0x3FAD]  }
0x30: {  	s3 =	sld [smem:$0x3FB0]  }
0x31: {  	[smem:$0x3FB9] =	sst s10  }
0x32: {  	s10 =	sld [smem:$0x3FB7];
	_ =	sdelay $0x3  }
0x33: {  	p0 =	seq.s32 s10, $0x1;
	s10 =	sld [smem:$0x3FB9];
	_ =	sdelay $0x3  }
0x34: {  	[smem:$0x3FB9] =	sst s10  }
0x35: {  	s10 =	sld [smem:$0x3FB8];
	_ =	sdelay $0x3  }
0x36: {  	p1 =	seq.s32 s10, $0x1;
	s10 =	sld [smem:$0x3FB9];
	_ =	sdelay $0x3  }
0x37: {  	[smem:$0x3FB9] =	sst s10  }
0x38: {  	s10 =	sld [smem:$0x3FBA]  }
0x39: {  	_ = 	snop;
	(pc) =	sbr.ind lr, $3  }
0x3a: {  	_ = 	snop  }
0x3b: {  	_ = 	snop  }
0x3c: {  	p2 =	seq.s32 s10, $0x1;
	s10 =	sld [smem:$0x3FB9]  }
0x3d: {  	_ =	shalt  }
0x3e: {  	_ =	shalt  }
0x3f: {  	_ =	shalt  }
0x40: {  	_ =	shalt  }
0x41: {  	_ =	shalt  }
0x42: {  	_ =	shalt  }
0x43: {  	_ =	shalt  }
0x44: {  	_ =	shalt  }
0x45: {  	_ =	shalt  }
0x46: {  	_ =	shalt  }
0x47: {  	_ =	shalt  }
0x48: {  	_ =	shalt  }
0x49: {  	_ =	shalt  }
0x4a: {  	_ =	shalt  }
0x4b: {  	_ =	shalt  }
0x4c: {  	_ =	shalt  }
0x4d: {  	_ =	shalt  }
0x4e: {  	_ =	shalt  }
0x4f: {  	_ =	shalt  }
0x50: {  	_ =	shalt  }
0x51: {  	_ =	shalt  }
0x52: {  	_ =	shalt  }
0x53: {  	_ =	shalt  }
0x54: {  	_ =	shalt  }
0x55: {  	_ =	shalt  }
0x56: {  	_ =	shalt  }
0x57: {  	_ =	shalt  }
0x58: {  	_ =	shalt  }
0x59: {  	_ =	shalt  }
0x5a: {  	_ =	shalt  }
0x5b: {  	_ =	shalt  }
0x5c: {  	_ =	shalt  }
0x5d: {  	_ =	shalt  }
0x5e: {  	_ =	shalt  }
0x5f: {  	_ =	shalt  }
0x60: {  	_ =	shalt  }
0x61: {  	_ =	shalt  }
0x62: {  	_ =	shalt  }
0x63: {  	_ =	shalt  }
0x64: {  	_ =	shalt  }
0x65: {  	_ =	shalt  }
0x66: {  	_ =	shalt  }
0x67: {  	_ =	shalt  }
0x68: {  	_ =	shalt  }
0x69: {  	_ =	shalt  }
0x6a: {  	_ =	shalt  }
0x6b: {  	_ =	shalt  }
0x6c: {  	_ =	shalt  }
0x6d: {  	_ =	shalt  }
0x6e: {  	_ =	shalt  }
0x6f: {  	_ =	shalt  }
0x70: {  	_ =	shalt  }
0x71: {  	_ =	shalt  }
0x72: {  	_ =	shalt  }
0x73: {  	_ =	shalt  }
0x74: {  	_ =	shalt  }
0x75: {  	_ =	shalt  }
0x76: {  	_ =	shalt  }
0x77: {  	_ =	shalt  }
0x78: {  	_ =	shalt  }
0x79: {  	_ =	shalt  }
0x7a: {  	_ =	shalt  }
0x7b: {  	_ =	shalt  }
0x7c: {  	_ =	shalt  }
0x7d: {  	_ =	shalt  }
0x7e: {  	_ =	shalt  }
0x7f: {  	_ =	shalt  }
0x80: {  	_ =	shalt  }
0x81: {  	_ =	shalt  }
0x82: {  	_ =	shalt  }
0x83: {  	_ =	shalt  }
0x84: {  	_ =	shalt  }
0x85: {  	_ =	shalt  }
0x86: {  	_ =	shalt  }
0x87: {  	_ =	shalt  }
.Lfunc_end0:
.L_simem_size_0:
called_computation_lowered:
.L_overlay_start_0:
0x88: {  	s2 =	sld [smem:$0x3FD9]  }
0x89: {  	s3 =	sld [smem:$0x3FFE];
	_ =	sdelay $0x1  }
0x8a: {  	s1 =	srdreg.scid  }
0x8b: {  	s0 =	sand.u32 $0x1, s1  }
0x8c: {  	s17 =	sshll.u32 s0, $0xA;
	s2 =	sadd.s32 s3, s2  }
0x8d: {  	s2 =	sadd.s32 s2, s17  }
0x8e: {  	[smem:$0x3FC5] =	sst s2  }
0x8f: {  	_ = 	snop  }
0x90: {  	s2 =	sld [smem:$0x3FD0];
	(tm) =	ssettm $0x1  }
0x91: {  	s18 =	sld [smem:$0x3FFB];
	_ =	sdelay $0x3  }
0x92: {  	_ =	strace s18  }
0x93: {  	s3 =	sld [smem:$0x3FFC];
	_ =	sdelay $0x3  }
0x94: {  	_ =	strace s3  }
0x95: {  	s3 =	sld [smem:$0x3FFD];
	_ =	sdelay $0x3  }
0x96: {  	_ =	strace s3  }
0x97: {  	_ =	strace $0x8FFFFFFF  }
0x98: {  	s19 =	sld [smem:$0x3FDB];
	_ =	sdelay $0x1  }
0x99: {  	s4 =	simm.s32 $_scs_section_size  }
0x9a: {  	s5 =	simm.s32 $_size__tile_overlayer_lowered;
	s6 =	simm.s32 $_tile_overlayer_lowered  }
0x9b: {  	s22 =	simm.s32 $0x1BFF;
	s21 =	sshll.u32 s6, $0x1;
	s3 =	sadd.s32 s4, s19  }
0x9c: {  	s7 =	simm.s32 $0x0;
	s20 =	sshll.u32 s5, $0x1;
	s5 =	sadd.s32 s21, s3  }
0x9d: {  	[timem:s7], [sflag:s22] =	dma.local [hbm:s5], s20  }
0x9e: {  	_ =	swait.ge [sflag:s22], s20  }
0x9f: {  	s4 =	ssub.s32 $0x0, s20;
	[sflag:s22] =	ssyncset.done $0x0  }
0xa0: {  	[sflag:s22] =	ssyncadd.s32 s4;
	_ =	sdelay $0x1  }
0xa1: {  	s23 =	simm.s32 $0x1B8B  }
0xa2: {  	_ =	swait.ge [sflag:s23], $0x1  }
0xa3: {  	[sflag:s23] =	ssyncset.done $0x0  }
0xa4: {  	s25 =	simm.s32 $0x1B8E;
	s24 =	sld [smem:$0x3FFE];
	[sflag:s23] =	ssyncadd.s32 $0xFFFFFFFF  }
0xa5: {  	s26 =	simm.s32 $execute0_lowered;
	[smem:$0x3FD2] =	sst s25  }
0xa6: {  	s5 =	sshll.u32 s26, $0x1;
	_ =	strace $0x80000046;
	[dreg:$0x1] =	wrdreg $0xFFFFFFFF  }
0xa7: {  	s28 =	simm.s32 $_size_execute0_lowered;
	s3 =	sadd.s32 s3, s5;
	[dreg:$0x0] =	wrdreg $0x0  }
0xa8: {  	s5 =	sshll.u32 s28, $0x1;
	[dreg:$0x2] =	wrdreg s3  }
0xa9: {  	[dreg:$0x3] =	wrdreg s5  }
0xaa: {  	[dreg:$0x4] =	wrdreg $0xC0  }
0xab: {  	_ =	task [dreg:s7], $0x5FFFF  }
0xac: {  	[dreg:$0x1] =	wrdreg $0xFFFFFFFF  }
0xad: {  	[dreg:$0x0] =	wrdreg $0x60  }
0xae: {  	[dreg:$0x2] =	wrdreg s2  }
0xaf: {  	[dreg:$0x3] =	wrdreg s24  }
0xb0: {  	[dreg:$0x4] =	wrdreg $0x9  }
0xb1: {  	_ =	task.clear_ibuf [dreg:s7], $0x5FFFF;
	_ =	strace $0x90000046  }
0xb2: {  	s29 =	simm.s32 $0x9;
	_ =	strace $0x80000048  }
0xb3: {  	_ =	swait.ge [sflag:s29], $0x1  }
0xb4: {  	[sflag:s29] =	ssyncadd.s32 $0xFFFFFFFF  }
0xb5: {  	_ =	strace $0x90000048  }
0xb6: {  	_ =	sfence  }
0xb7: {  	s30 =	sld [smem:$0x0];
	_ =	sdelay $0x2  }
0xb8: {  	s31 =	sshll.u32 s1, $0xD;
	s1 =	sshrl.u32 s1, $0x2  }
0xb9: {  	s3 =	sand.u32 $0x4000, s31;
	s1 =	sadd.s32 s1, s30  }
0xba: {  	s0 =	sor.u32 s3, s0;
	s1 =	sshll.u32 s1, $0x11  }
0xbb: {  	s0 =	sor.u32 s1, s0  }
0xbc: {  	s0 =	sadd.s32 $0x8F2B, s0  }
0xbd: {  	[sflag:s0] =	ssyncadd.remote.s32 $0x1  }
0xbe: {  	_ =	sfence.sel $0xFFFF  }
0xbf: {  	[dreg:$0x0] =	wrdreg $0xFFFFFFFF;
	(pc) =	sbr.abs _section_cstart, $3  }
0xc0: {  	[dreg:$0x1] =	wrdreg $0xFFFFFFFF  }
0xc1: {  	_ =	task.clear_ibuf [dreg:s7], $0x2FFFF;
	_ =	strace $0x9FFFFFFF  }
0xc2: {  	(tm) =	ssettm $0x7FFFFFFF  }
0xc3: {  	_ =	shalt  }
tec
execute0_lowered:
.L_overlay_start_1:
0x0: {  	(tag) =	ssettag $0x1  }
0x1: {  	s0 =	rddreg [dreg:$0x0];
	s1 =	srdreg.scid  }
0x2: {  	s2 =	stileid.u32;
	s4 =	rddreg [dreg:$0x1]  }
0x3: {  	s9 =	simm.s32 $0x80;
	s13 =	simm.s32 $0x2000;
	s14 =	simm.s32 $0x180  }
0x4: {  	s15 =	simm.s32 $0x2800;
	s16 =	simm.s32 $0x1;
	s17 =	simm.s32 $0x2  }
0x5: {  	s18 =	simm.s32 $0x3;
	s19 =	simm.s32 $0x4;
	s20 =	simm.s32 $0x6800  }
0x6: {  	s1 =	sand.u32 $0x1, s1;
	s3 =	sshll.u32 s2, $0x1;
	s2 =	simm.s32 $0x0  }
0x7: {  	s21 =	simm.s32 $0x0;
	s5 =	sor.u32 s1, s3;
	[smem:$0x7FF] =	sst s2  }
0x8: {  	s1 =	ssub.s32 $0x2, s1;
	s3 =	smul.u32 $0x700, s5;
	_ =	strace $0x80000047  }
0x9: {  	s6 =	smul.u32 $0x620, s5;
	s8 =	sshrl.u32 s1, $0x1;
	s31 =	sshll.u32 s5, $0x9  }
0xa: {  	s1 =	ssub.s32 s1, s8;
	s8 =	simm.s32 $0x5;
	s7 =	sadd.s32 s3, s4  }
0xb: {  	s3 =	sadd.s32 $0x3F2600, s4;
	s6 =	sadd.s32 s6, s4;
	s4 =	sadd.s32 s0, s31  }
0xc: {  	s5 =	sadd.s32 $0xA00, s7;
	s6 =	sadd.s32 $0xEA00, s6;
	s7 =	smax.u32 s1, $0x1  }
.LBB2_1:
0xd: {  	[tilespmem:s2], [sflag:$0x5] =	stream.linear.gather [hbm4b:s4+s2], $0x1000, $0x38;
	[tilespmem:$0x9900] =	vst v63  }
0xe: {  	_ =	swait.ge [sflag:s8], $0x1000  }
0xf: {  	[sflag:s8] =	ssyncset.done $0x0  }
0x10: {  	s22 =	simm.s32 $0x3000;
	[sflag:s8] =	ssyncadd.s32 $0xFFFFF000  }
0x11: {  	[tilespmem:s22], [sflag:$0x5] =	stream.linear.gather [hbm4b:s5+s2], $0x3800, $0x38;
	[tilespmem:$0x9900] =	vst v63  }
0x12: {  	_ =	swait.ge [sflag:s8], $0x3800  }
0x13: {  	[sflag:s8] =	ssyncset.done $0x0  }
0x14: {  	s0 =	simm.s32 $0x1000;
	s26 =	simm.s32 $0x1800;
	[sflag:s8] =	ssyncadd.s32 $0xFFFFC800  }
0x15: {  	[tilespmem:s0], [sflag:$0x1] =	stream.indirect.gather [hbm4b:s3+s9], $0x10, s2, s9, $0xb8;
	[tilespmem:$0x9900] =	vst v63  }
0x16: {  	s31 =	simm.s32 $0x100;
	s23 =	simm.s32 $0x6A00;
	s24 =	simm.s32 $0x3200  }
0x17: {  	[tilespmem:s26], [sflag:$0x2] =	stream.indirect.gather [hbm4b:s3+s9], $0x10, s9, s9, $0xb8;
	[tilespmem:$0x9900] =	vst v63  }
0x18: {  	s25 =	simm.s32 $0x6B10;
	s28 =	simm.s32 $0x6D10;
	s29 =	simm.s32 $0x3580  }
0x19: {  	[tilespmem:s13], [sflag:$0x3] =	stream.indirect.gather [hbm4b:s3+s9], $0x10, s31, s9, $0xb8;
	[tilespmem:$0x9900] =	vst v63  }
0x1a: {  	s30 =	simm.s32 $0x6800;
	s1 =	simm.s32 $0x0;
	s26 =	simm.s32 $0x3380  }
0x1b: {  	[tilespmem:s15], [sflag:$0x4] =	stream.indirect.gather [hbm4b:s3+s9], $0x10, s14, s9, $0xb8;
	[tilespmem:$0x9900] =	vst v63  }
.LBB2_2:
0x1c: {  	_ =	swait.ge [sflag:s16], $0x800  }
0x1d: {  	[sflag:s16] =	ssyncset.done $0x0  }
0x1e: {  	s31 =	simm.s32 $0x1020;
	[sflag:s16] =	ssyncadd.s32 $0xFFFFF800  }
0x1f: {  	v2 =	vld [tilespmem:s31+$0xFFFFFFF0]  }
0x20: {  	s0 =	simm.s32 $0x0;
	v1 =	vmov s22;
	v0 =	vmov s30;
	s10 =	simm.s32 $0x40;
	v3 =	vld [tilespmem:s31+$0xFFFFFFE0]  }
.LBB2_3:
0x21: {  	p0 =	sne.s32 s10, $0x7C0  }
0x22: {  	v4 =	vld [tilespmem:s31+$0x0];
	_ =	sdelay $0x1  }
0x23: {  	s11 =	sshra.s32 s0, $0x2;
	s0 =	smov.u32 s10;
	v5 =	vld [tilespmem:s31+$0x10]  }
0x24: {  	v2 =	vsub.f32 v3, v2;
	v3 =	vld.idx.msk [tilespmem:v1+s11+$0x0 ss:$0x1], $0xffff;
	_ =	sdelay $0x1  }
0x25: {  	v2 =	vsub.f32 v2, v4;
	_ =	sdelay $0x1  }
0x26: {  	v2 =	vadd.f32 v5, v2;
	_ =	sdelay $0x1  }
.Ltmp0:
0x27: {  	v2 =	vmul.f32 v3, v2;
	(pc) =	sbr.rel @p0 .LBB2_3-.Ltmp0, $4  }
0x28: {  	_ = 	snop  }
0x29: {  	s31 =	sadd.s32 $0x40, s31;
	[tilespmem:v0+s11+$0x0 ss:$0x1] =	vst.idx.msk $0xffff, v2  }
0x2a: {  	v2 =	vld [tilespmem:s31+$0xFFFFFFF0]  }
0x2b: {  	s10 =	sadd.s32 $0x40, s10;
	v3 =	vld [tilespmem:s31+$0xFFFFFFE0]  }
0x2c: {  	_ = 	snop  }
0x2d: {  	v4 =	vld [tilespmem:s31+$0x0];
	_ =	sdelay $0x1  }
0x2e: {  	v5 =	vld [tilespmem:s31+$0x10]  }
0x2f: {  	s0 =	sshra.s32 s0, $0x2;
	v2 =	vsub.f32 v3, v2  }
0x30: {  	v1 =	vld.idx.msk [tilespmem:v1+s0+$0x0 ss:$0x1], $0xffff  }
0x31: {  	v2 =	vsub.f32 v2, v4;
	_ =	sdelay $0x1  }
0x32: {  	v2 =	vadd.f32 v5, v2;
	_ =	sdelay $0x1  }
0x33: {  	s31 =	sadd.s32 $0x1, s1;
	p0 =	seq.s32 s1, $0x7;
	v1 =	vmul.f32 v1, v2  }
0x34: {  	s1 =	sshll.u32 @!p0 s31, $0x9  }
0x35: {  	s10 =	simm.s32 @!p0 $0x1000;
	s1 =	sand.u32 @!p0 $0x3FFFFE00, s1;
	[tilespmem:v0+s0+$0x0 ss:$0x1] =	vst.idx.msk $0xffff, v1;
	s0 =	simm.s32 @!p0 $0x80  }
0x36: {  	[tilespmem:s10], [sflag:$0x1] =	stream.indirect.gather @!p0 [hbm4b:s3+s0], $0x10, s1, s0, $0xb8;
	[tilespmem:$0x9900] =	vst v63  }
0x37: {  	_ =	swait.ge [sflag:s17], $0x800  }
0x38: {  	[sflag:s17] =	ssyncset.done $0x0  }
0x39: {  	s0 =	simm.s32 $0x1820;
	[sflag:s17] =	ssyncadd.s32 $0xFFFFF800  }
0x3a: {  	v2 =	vld [tilespmem:s0+$0xFFFFFFF0]  }
0x3b: {  	s11 =	simm.s32 $0x40;
	v1 =	vmov s24;
	v0 =	vmov s23;
	s10 =	simm.s32 $0x0;
	v3 =	vld [tilespmem:s0+$0xFFFFFFE0]  }
.LBB2_5:
0x3c: {  	p1 =	sne.s32 s11, $0x400  }
0x3d: {  	v4 =	vld [tilespmem:s0+$0x0];
	_ =	sdelay $0x1  }
0x3e: {  	s12 =	sshra.s32 s10, $0x2;
	s10 =	smov.u32 s11;
	v5 =	vld [tilespmem:s0+$0x10]  }
0x3f: {  	v2 =	vsub.f32 v3, v2;
	v3 =	vld.idx.msk [tilespmem:v1+s12+$0x0 ss:$0x1], $0xffff;
	_ =	sdelay $0x1  }
0x40: {  	v2 =	vsub.f32 v2, v4;
	_ =	sdelay $0x1  }
0x41: {  	v2 =	vadd.f32 v5, v2;
	_ =	sdelay $0x1  }
.Ltmp1:
0x42: {  	v2 =	vmul.f32 v3, v2;
	(pc) =	sbr.rel @p1 .LBB2_5-.Ltmp1, $4  }
0x43: {  	_ = 	snop  }
0x44: {  	s0 =	sadd.s32 $0x40, s0;
	[tilespmem:v0+s12+$0x0 ss:$0x1] =	vst.idx.msk $0xffff, v2  }
0x45: {  	v2 =	vld [tilespmem:s0+$0xFFFFFFF0]  }
0x46: {  	s11 =	sadd.s32 $0x40, s11;
	v3 =	vld [tilespmem:s0+$0xFFFFFFE0]  }
0x47: {  	_ = 	snop  }
0x48: {  	v4 =	vld [tilespmem:s0+$0x0];
	_ =	sdelay $0x1  }
0x49: {  	v5 =	vld [tilespmem:s0+$0x10]  }
0x4a: {  	s12 =	sshra.s32 s10, $0x2;
	v2 =	vsub.f32 v3, v2  }
0x4b: {  	v1 =	vld.idx.msk [tilespmem:v1+s12+$0x0 ss:$0x1], $0xffff  }
0x4c: {  	v2 =	vsub.f32 v2, v4;
	_ =	sdelay $0x1  }
0x4d: {  	v2 =	vadd.f32 v5, v2;
	_ =	sdelay $0x1  }
0x4e: {  	v1 =	vmul.f32 v1, v2;
	_ =	sdelay $0x1  }
0x4f: {  	s0 =	sor.u32 @!p0 $0x80, s1;
	s10 =	simm.s32 @!p0 $0x80;
	s11 =	simm.s32 @!p0 $0x1800;
	[tilespmem:v0+s12+$0x0 ss:$0x1] =	vst.idx.msk $0xffff, v1  }
0x50: {  	[tilespmem:s11], [sflag:$0x2] =	stream.indirect.gather @!p0 [hbm4b:s3+s10], $0x10, s0, s10, $0xb8;
	[tilespmem:$0x9900] =	vst v63  }
0x51: {  	_ =	swait.ge [sflag:s18], $0x800  }
0x52: {  	[sflag:s18] =	ssyncset.done $0x0  }
0x53: {  	s0 =	simm.s32 $0x2020;
	[sflag:s18] =	ssyncadd.s32 $0xFFFFF800  }
0x54: {  	v2 =	vld [tilespmem:s0+$0xFFFFFFF0]  }
0x55: {  	v1 =	vmov s26;
	v0 =	vmov s25;
	s10 =	simm.s32 $0x0;
	s11 =	simm.s32 $0x40;
	v3 =	vld [tilespmem:s0+$0xFFFFFFE0]  }
.LBB2_7:
0x56: {  	p1 =	sne.s32 s11, $0x7C0  }
0x57: {  	v4 =	vld [tilespmem:s0+$0x0];
	_ =	sdelay $0x1  }
0x58: {  	s12 =	sshra.s32 s10, $0x2;
	s10 =	smov.u32 s11;
	v5 =	vld [tilespmem:s0+$0x10]  }
0x59: {  	v2 =	vsub.f32 v3, v2;
	v3 =	vld.idx.msk [tilespmem:v1+s12+$0x0 ss:$0x1], $0xffff;
	_ =	sdelay $0x1  }
0x5a: {  	v2 =	vsub.f32 v2, v4;
	_ =	sdelay $0x1  }
0x5b: {  	v2 =	vadd.f32 v5, v2;
	_ =	sdelay $0x1  }
.Ltmp2:
0x5c: {  	v2 =	vmul.f32 v3, v2;
	(pc) =	sbr.rel @p1 .LBB2_7-.Ltmp2, $4  }
0x5d: {  	_ = 	snop  }
0x5e: {  	s0 =	sadd.s32 $0x40, s0;
	[tilespmem:v0+s12+$0x0 ss:$0x1] =	vst.idx.msk $0xffff, v2  }
0x5f: {  	v2 =	vld [tilespmem:s0+$0xFFFFFFF0]  }
0x60: {  	s11 =	sadd.s32 $0x40, s11;
	v3 =	vld [tilespmem:s0+$0xFFFFFFE0]  }
0x61: {  	_ = 	snop  }
0x62: {  	v4 =	vld [tilespmem:s0+$0x0];
	_ =	sdelay $0x1  }
0x63: {  	v5 =	vld [tilespmem:s0+$0x10]  }
0x64: {  	s12 =	sshra.s32 s10, $0x2;
	v2 =	vsub.f32 v3, v2  }
0x65: {  	v1 =	vld.idx.msk [tilespmem:v1+s12+$0x0 ss:$0x1], $0xffff  }
0x66: {  	v2 =	vsub.f32 v2, v4;
	_ =	sdelay $0x1  }
0x67: {  	v2 =	vadd.f32 v5, v2;
	_ =	sdelay $0x1  }
0x68: {  	v1 =	vmul.f32 v1, v2;
	_ =	sdelay $0x1  }
0x69: {  	s0 =	sor.u32 @!p0 $0x100, s1;
	s10 =	simm.s32 @!p0 $0x80;
	s11 =	simm.s32 @!p0 $0x2000;
	[tilespmem:v0+s12+$0x0 ss:$0x1] =	vst.idx.msk $0xffff, v1  }
0x6a: {  	[tilespmem:s11], [sflag:$0x3] =	stream.indirect.gather @!p0 [hbm4b:s3+s10], $0x10, s0, s10, $0xb8;
	[tilespmem:$0x9900] =	vst v63  }
0x6b: {  	_ =	swait.ge [sflag:s19], $0x800  }
0x6c: {  	[sflag:s19] =	ssyncset.done $0x0  }
0x6d: {  	s0 =	simm.s32 $0x2820;
	[sflag:s19] =	ssyncadd.s32 $0xFFFFF800  }
0x6e: {  	v2 =	vld [tilespmem:s0+$0xFFFFFFF0]  }
0x6f: {  	v1 =	vmov s29;
	v0 =	vmov s28;
	s10 =	simm.s32 $0x0;
	s11 =	simm.s32 $0x40;
	v3 =	vld [tilespmem:s0+$0xFFFFFFE0]  }
.LBB2_9:
0x70: {  	p1 =	sne.s32 s11, $0x400  }
0x71: {  	v4 =	vld [tilespmem:s0+$0x0];
	_ =	sdelay $0x1  }
0x72: {  	s12 =	sshra.s32 s10, $0x2;
	s10 =	smov.u32 s11;
	v5 =	vld [tilespmem:s0+$0x10]  }
0x73: {  	v2 =	vsub.f32 v3, v2;
	v3 =	vld.idx.msk [tilespmem:v1+s12+$0x0 ss:$0x1], $0xffff;
	_ =	sdelay $0x1  }
0x74: {  	v2 =	vsub.f32 v2, v4;
	_ =	sdelay $0x1  }
0x75: {  	v2 =	vadd.f32 v5, v2;
	_ =	sdelay $0x1  }
.Ltmp3:
0x76: {  	v2 =	vmul.f32 v3, v2;
	(pc) =	sbr.rel @p1 .LBB2_9-.Ltmp3, $4  }
0x77: {  	_ = 	snop  }
0x78: {  	s0 =	sadd.s32 $0x40, s0;
	[tilespmem:v0+s12+$0x0 ss:$0x1] =	vst.idx.msk $0xffff, v2  }
0x79: {  	v2 =	vld [tilespmem:s0+$0xFFFFFFF0]  }
0x7a: {  	s11 =	sadd.s32 $0x40, s11;
	v3 =	vld [tilespmem:s0+$0xFFFFFFE0]  }
0x7b: {  	_ = 	snop  }
0x7c: {  	v4 =	vld [tilespmem:s0+$0x0];
	_ =	sdelay $0x1  }
0x7d: {  	v5 =	vld [tilespmem:s0+$0x10]  }
0x7e: {  	s12 =	sshra.s32 s10, $0x2;
	v2 =	vsub.f32 v3, v2  }
0x7f: {  	v1 =	vld.idx.msk [tilespmem:v1+s12+$0x0 ss:$0x1], $0xffff  }
0x80: {  	v2 =	vsub.f32 v2, v4;
	_ =	sdelay $0x1  }
0x81: {  	p1 =	sne.s32 @!p0 s31, $0x8;
	v2 =	vadd.f32 v5, v2  }
0x82: {  	s0 =	sor.u32 @!p0 $0x180, s1;
	p1 =	por p0, !p1  }
.Ltmp4:
0x83: {  	s1 =	simm.s32 @!p0 $0x80;
	s10 =	simm.s32 @!p0 $0x2800;
	v1 =	vmul.f32 v1, v2;
	(pc) =	sbr.rel @!p1 .LBB2_2-.Ltmp4, $4  }
0x84: {  	s30 =	sadd.s32 @!p0 $0x620, s30;
	s22 =	sadd.s32 @!p0 $0x700, s22;
	s23 =	sadd.s32 @!p0 $0x620, s23  }
0x85: {  	s24 =	sadd.s32 @!p0 $0x700, s24;
	s25 =	sadd.s32 @!p0 $0x620, s25;
	s26 =	sadd.s32 @!p0 $0x700, s26;
	[tilespmem:v0+s12+$0x0 ss:$0x1] =	vst.idx.msk $0xffff, v1  }
0x86: {  	[tilespmem:s10], [sflag:$0x4] =	stream.indirect.gather @!p0 [hbm4b:s3+s1], $0x10, s0, s1, $0xb8;
	[tilespmem:$0x9900] =	vst v63  }
0x87: {  	s28 =	sadd.s32 @!p0 $0x620, s28;
	s29 =	sadd.s32 @!p0 $0x700, s29;
	s1 =	smov.u32 s31  }
0x88: {  	s21 =	sadd.s32 $0x1, s21  }
0x89: {  	p0 =	sne.s32 s21, s7  }
.Ltmp5:
0x8a: {  	_ = 	snop;
	(pc) =	sbr.rel @p0 .LBB2_1-.Ltmp5, $4  }
0x8b: {  	[hbm4b:s6+s2] =	stream.linear.scatter [tilespmem:s20], [sflag:$0x5], $0x3100, $0x38;
	[tilespmem:$0x9900] =	vst v63  }
0x8c: {  	_ =	swait.ge [sflag:s8], $0x3100  }
0x8d: {  	[sflag:s8] =	ssyncset.done $0x0  }
0x8e: {  	[sflag:s8] =	ssyncadd.s32 $0xFFFFCF00  }
0x8f: {  	_ =	sfence.sel $0x180000  }
0x90: {  	[bflag:$0x0] =	sbarrier.arrive $0xFFFF  }
0x91: {  	_ =	strace $0x90000047  }
0x92: {  	s0 =	stileid.u32;
	[bflag:$0x2] =	sbarrier.arrive $0xFFFF  }
0x93: {  	p0 =	sne.s32 s0, $0x0;
	s0 =	rddreg [dreg:$0x2]  }
0x94: {  	s0 =	sadd.s32 @!p0 $0x100000, s0  }
0x95: {  	[sflag:s0] =	ssyncadd.tile.s32 @!p0 $0x1;
	_ =	shalt  }
.Lfunc_end2:
_tile_overlayer_lowered:
.L_overlay_start_2:
0x96: {  	(tag) =	ssettag $0x2  }
0x97: {  	s0 =	rddreg [dreg:$0x0];
	s2 =	stileid.u32  }
0x98: {  	s1 =	rddreg [dreg:$0x1];
	p0 =	sne.s32 s2, $0x0  }
0x99: {  	s3 =	rddreg [dreg:$0x2];
	[bflag:$0x3] =	sbarrier.arrive $0xFFFF;
	s2 =	simm.s32 @!p0 $0x1C05  }
0x9a: {  	[timem:s3], [sflag:s2] =	dma.local @!p0 [hbm:s0], s1  }
0x9b: {  	s0 =	simm.s32 @!p0 $0x5  }
0x9c: {  	_ =	swait.ge @!p0 [sflag:s0], s1  }
0x9d: {  	s1 =	ssub.s32 @!p0 $0x0, s1;
	[sflag:s0] =	ssyncset.done @!p0 $0x0  }
0x9e: {  	[sflag:s0] =	ssyncadd.s32 @!p0 s1  }
0x9f: {  	[bflag:$0x3] =	sbarrier.arrive $0xFFFF  }
0xa0: {  	_ =	shalt  }

</sc_bundles>
